<compile_context>
chip_gen: v7x
topology: tpu7x:2x2x1
jax: 0.10.2.dev20260603
libtpu: 0.0.44.dev20260713+nightly
codegen_flags: <defaults>
</compile_context>

<pallas_src>
import numpy as np

import jax
import jax.numpy as jnp
from jax.experimental import pallas as pl
from jax.experimental.pallas import tpu as pltpu
from jax.experimental.pallas import tpu_sc as plsc

_B, _S, _D = 1, 2048, 768
_E, _K, _F = 8, 2, 2048
_H = _D // 2
_BM = 128
_P = _S * _K + _E * _BM
_NBLK = _P // _BM
_WIN = 128

_TRI = np.tril(np.ones((_S, _S), np.float32), -1).astype(jnp.bfloat16)


def _router_kernel(x_ref, wr_ref, gs_ref, gb_ref, tri_ref,
                   h2_ref, dest_ref, w_ref, be_ref, bv_ref):
    x = x_ref[...]
    mu = jnp.mean(x, axis=-1, keepdims=True)
    xc = x - mu
    var = jnp.mean(xc * xc, axis=-1, keepdims=True)
    h = xc * jax.lax.rsqrt(var + 1e-5) * gs_ref[...][None, :] + gb_ref[...][None, :]
    h2_ref[:_S, :] = h[:, :_H]
    h2_ref[_S:, :] = h[:, _H:]

    logits = jnp.dot(h, wr_ref[...], preferred_element_type=jnp.float32)
    p = jax.nn.softmax(logits, axis=-1)
    eids = jax.lax.broadcasted_iota(jnp.int32, p.shape, 1)
    m1 = jnp.max(p, axis=-1)
    i1 = jnp.argmax(p, axis=-1)
    oh1 = eids == i1[:, None]
    p2 = jnp.where(oh1, -jnp.inf, p)
    m2 = jnp.max(p2, axis=-1)
    i2 = jnp.argmax(p2, axis=-1)
    oh2 = eids == i2[:, None]
    s = m1 + m2
    w_ref[...] = jnp.stack([m1 / s, m2 / s], axis=1)

    cnt = (oh1 | oh2).astype(jnp.float32)
    ranks = jnp.dot(tri_ref[...], cnt.astype(jnp.bfloat16),
                    preferred_element_type=jnp.float32)
    counts = ranks[_S - 1:_S, :] + cnt[_S - 1:_S, :]
    roundc = jnp.floor((counts + (_BM - 1)) * (1.0 / _BM)) * _BM
    r8 = jax.lax.broadcasted_iota(jnp.int32, (_E, _E), 0)
    c8 = jax.lax.broadcasted_iota(jnp.int32, (_E, _E), 1)
    u8 = (r8 < c8).astype(jnp.float32)
    excl = jnp.sum(roundc.reshape(_E, 1) * u8, axis=0).reshape(1, _E)

    d0 = jnp.sum(jnp.where(oh1, excl + ranks, 0.0), axis=-1)
    d1 = jnp.sum(jnp.where(oh2, excl + ranks, 0.0), axis=-1)
    dq = jnp.concatenate([d0, d1, d0 + _P, d1 + _P]).astype(jnp.int32)
    dest_ref[...] = dq.reshape(1, 2 * _K * _S)

    bs = (jax.lax.broadcasted_iota(jnp.int32, (_E, _NBLK), 1).astype(jnp.float32)
          * _BM)
    exc = excl.reshape(_E, 1)
    ben = exc + roundc.reshape(_E, 1)
    be = jnp.sum((bs >= ben).astype(jnp.int32), axis=0)
    bv = jnp.sum(((bs >= exc) & (bs < exc + counts.reshape(_E, 1))).astype(jnp.int32),
                 axis=0)
    be_ref[...] = jnp.minimum(be, _E - 1)
    bv_ref[...] = bv


def _gmm_kernel(be_ref, bv_ref, xl_ref, xr_ref, w1_ref, w2_ref, y2_ref):
    b = pl.program_id(0)

    @pl.when(bv_ref[b] > 0)
    def _compute():
        x = jnp.concatenate([xl_ref[...], xr_ref[...]], axis=1)
        mid = jnp.dot(x, w1_ref[0], preferred_element_type=jnp.float32)
        mid = mid * jax.nn.sigmoid(mid)
        y = jnp.dot(mid, w2_ref[0], preferred_element_type=jnp.float32)
        y2_ref[0] = y[:, :_H]
        y2_ref[1] = y[:, _H:]


def _combine_kernel(r_ref, yl0_ref, yl1_ref, yr0_ref, yr1_ref, w_ref, o_ref):
    w = w_ref[...]
    w0, w1 = w[:, 0:1], w[:, 1:2]
    o_ref[...] = r_ref[...] + jnp.concatenate(
        [w0 * yl0_ref[...] + w1 * yl1_ref[...],
         w0 * yr0_ref[...] + w1 * yr1_ref[...]], axis=1)


def _sc_dispatch(h2, dest2):
    nwin = _S // _WIN

    @pl.kernel(out_type=jax.ShapeDtypeStruct((2 * _P, _H), jnp.float32),
               mesh=plsc.VectorSubcoreMesh(core_axis_name="core",
                                           subcore_axis_name="subcore"))
    def disp(h_hbm, i_hbm, x_hbm):
        def body(h_vmem, i_vmem):
            pltpu.sync_copy(h_vmem, x_hbm.at[i_vmem.at[0]])

        pltpu.emit_pipeline(
            body,
            grid=(2 * _K * nwin,),
            in_specs=[pl.BlockSpec((_WIN, _H),
                                   index_map=lambda i: (i % nwin + nwin * (i // (_K * nwin)), 0)),
                      pl.BlockSpec((1, _WIN), index_map=lambda i: (0, i))],
            out_specs=[],
            core_axis_name=("core", "subcore"),
            dimension_semantics=(pltpu.PARALLEL,),
        )(h_hbm, i_hbm)

    return disp(h2, dest2)


def _sc_combine_gather(yflat, dest2):

    @pl.kernel(out_type=jax.ShapeDtypeStruct((2 * _K * _S, _H), jnp.float32),
               mesh=plsc.VectorSubcoreMesh(core_axis_name="core",
                                           subcore_axis_name="subcore"))
    def gath(y_hbm, i_hbm, o_hbm):
        def body(i_vmem, o_vmem):
            pltpu.sync_copy(y_hbm.at[i_vmem.at[0]], o_vmem)

        pltpu.emit_pipeline(
            body,
            grid=(2 * _K * _S // _WIN,),
            in_specs=[pl.BlockSpec((1, _WIN), index_map=lambda i: (0, i))],
            out_specs=[pl.BlockSpec((_WIN, _H), index_map=lambda i: (i, 0))],
            core_axis_name=("core", "subcore"),
            dimension_semantics=(pltpu.PARALLEL,),
        )(i_hbm, o_hbm)

    return gath(yflat, dest2)


def kernel(hidden_states, Wr, W1, W2, ln_scale, ln_bias):
    x = hidden_states.reshape(_S, _D)

    h2, dest2, w, be, bv = pl.pallas_call(
        _router_kernel,
        grid=(1,),
        in_specs=[
            pl.BlockSpec((_S, _D), lambda i: (0, 0)),
            pl.BlockSpec((_D, _E), lambda i: (0, 0)),
            pl.BlockSpec((_D,), lambda i: (0,)),
            pl.BlockSpec((_D,), lambda i: (0,)),
            pl.BlockSpec((_S, _S), lambda i: (0, 0)),
        ],
        out_specs=[
            pl.BlockSpec((2 * _S, _H), lambda i: (0, 0)),
            pl.BlockSpec((1, 2 * _K * _S), lambda i: (0, 0)),
            pl.BlockSpec((_S, _K), lambda i: (0, 0)),
            pl.BlockSpec((_NBLK,), lambda i: (0,)),
            pl.BlockSpec((_NBLK,), lambda i: (0,)),
        ],
        out_shape=[
            jax.ShapeDtypeStruct((2 * _S, _H), jnp.float32),
            jax.ShapeDtypeStruct((1, 2 * _K * _S), jnp.int32),
            jax.ShapeDtypeStruct((_S, _K), jnp.float32),
            jax.ShapeDtypeStruct((_NBLK,), jnp.int32),
            jax.ShapeDtypeStruct((_NBLK,), jnp.int32),
        ],
    )(x, Wr, ln_scale, ln_bias, jnp.asarray(_TRI))

    xflat = _sc_dispatch(h2, dest2)

    y2 = pl.pallas_call(
        _gmm_kernel,
        grid_spec=pltpu.PrefetchScalarGridSpec(
            num_scalar_prefetch=2,
            grid=(_NBLK,),
            in_specs=[
                pl.BlockSpec((_BM, _H), lambda b, be, bv: (b, 0)),
                pl.BlockSpec((_BM, _H), lambda b, be, bv: (b + _NBLK, 0)),
                pl.BlockSpec((1, _D, _F), lambda b, be, bv: (be[b], 0, 0)),
                pl.BlockSpec((1, _F, _D), lambda b, be, bv: (be[b], 0, 0)),
            ],
            out_specs=pl.BlockSpec((2, _BM, _H), lambda b, be, bv: (0, b, 0)),
        ),
        out_shape=jax.ShapeDtypeStruct((2, _P, _H), jnp.float32),
    )(be, bv, xflat, xflat, W1, W2)

    yg = _sc_combine_gather(y2.reshape(2 * _P, _H), dest2)

    tbc = 1024
    nb = _S // tbc
    out = pl.pallas_call(
        _combine_kernel,
        grid=(nb,),
        in_specs=[
            pl.BlockSpec((tbc, _D), lambda i: (i, 0)),
            pl.BlockSpec((tbc, _H), lambda i: (i, 0)),
            pl.BlockSpec((tbc, _H), lambda i: (i + nb, 0)),
            pl.BlockSpec((tbc, _H), lambda i: (i + 2 * nb, 0)),
            pl.BlockSpec((tbc, _H), lambda i: (i + 3 * nb, 0)),
            pl.BlockSpec((tbc, _K), lambda i: (i, 0)),
        ],
        out_specs=pl.BlockSpec((tbc, _D), lambda i: (i, 0)),
        out_shape=jax.ShapeDtypeStruct((_S, _D), jnp.float32),
    )(x, yg, yg, yg, yg, w)

    return out.reshape(_B, _S, _D)

# --- scband reference (transcript-rebuilt; emitter-appended) ---
"""Pipeline reference for scband-mo-elayer-18184891532017 (READ-ONLY COPY).

The authoritative reference and input builder live on the scoring server;
editing this copy changes nothing except your own understanding.
"""

import jax, jax.numpy as jnp
import numpy as np

B, S, D = 1, 2048, 768
E, K, F = 8, 2, 2048

def setup_inputs(seed: int = 0) -> dict:
    key = jax.random.key(seed)
    k0, k1, k2, k3 = jax.random.split(key, 4)
    hidden_states = jax.random.normal(k0, (B, S, D), dtype=jnp.float32)
    Wr = jax.random.normal(k1, (D, E), dtype=jnp.float32) * 0.02
    W1 = jax.random.normal(k2, (E, D, F), dtype=jnp.float32) * 0.02
    W2 = jax.random.normal(k3, (E, F, D), dtype=jnp.float32) * 0.02
    ln_scale = jnp.ones((D,), dtype=jnp.float32)
    ln_bias = jnp.zeros((D,), dtype=jnp.float32)
    return {"hidden_states": hidden_states, "Wr": Wr, "W1": W1, "W2": W2,
            "ln_scale": ln_scale, "ln_bias": ln_bias}

def reference(hidden_states, Wr, W1, W2, ln_scale, ln_bias):
    b, s, d = hidden_states.shape
    n_exp = Wr.shape[1]
    residual = hidden_states
    # LayerNorm (eps=1e-5)
    mu = jnp.mean(hidden_states, axis=-1, keepdims=True)
    var = jnp.mean((hidden_states - mu) ** 2, axis=-1, keepdims=True)
    h = (hidden_states - mu) / jnp.sqrt(var + 1e-5) * ln_scale + ln_bias
    tokens = h.reshape(-1, d)  # [T, D]
    T = tokens.shape[0]
    # TopKRouter (eval mode: no jitter, no aux loss)
    logits = tokens @ Wr  # [T, E]
    probs = jax.nn.softmax(logits, axis=-1)
    w, idx = jax.lax.top_k(probs, K)  # [T, K]
    # normalize_gates=True
    w = w / jnp.sum(w, axis=-1, keepdims=True)
    # combine weights per expert via scatter-add: [T, E]
    comb = jnp.zeros((T, n_exp), dtype=tokens.dtype)
    comb = comb.at[jnp.arange(T)[:, None], idx].add(w)
    # Expert FFNs (silu, no bias), weighted combine (no capacity dropping,
    # matching the torch loop which processes every routed token)
    out = jnp.zeros_like(tokens)
    for e in range(n_exp):
        mid = jax.nn.silu(tokens @ W1[e])
        y = mid @ W2[e]
        out = out + comb[:, e:e + 1] * y
    out = out.reshape(b, s, d)
    return residual + out

if __name__ == "__main__":
    import jax
    _d = setup_inputs()
    print(jax.jit(kernel)(*tuple(_d.values())))

</pallas_src>

<mosaic_0001>
#map = affine_map<(d0, d1) -> (0, 0)>
module attributes {stable_mosaic.version = 14 : i64} {
  func.func @gath(%arg0: i32, %arg1: i32, %arg2: memref<10240x384xf32, #tpu.memory_space<hbm>>, %arg3: memref<1x8192xi32, #tpu.memory_space<hbm>>, %arg4: memref<8192x384xf32, #tpu.memory_space<hbm>>) attributes {dimension_semantics = [#tpu.dimension_semantics<core_parallel>, #tpu.dimension_semantics<subcore_parallel>], iteration_bounds = array<i64: 2, 16>, scalar_prefetch = 0 : i64, scratch_operands = 0 : i64, tpu.core_type = #tpu.core_type<sc_vector_subcore>, window_params = [{transform_indices = #map}, {transform_indices = #map}, {transform_indices = #map}]} {
    %mul3A = arith.constant 1 : i32
    %mul3A_0 = arith.muli %arg1, %mul3A : i32
    %add3A = arith.constant 0 : i32
    %add3A_1 = arith.addi %add3A, %mul3A_0 : i32
    %mul3A_2 = arith.constant 16 : i32
    %mul3A_3 = arith.muli %arg0, %mul3A_2 : i32
    %add3A_4 = arith.addi %add3A_1, %mul3A_3 : i32
    %mul3A_5 = arith.constant 2 : i32
    %mul3A_6 = arith.muli %add3A_4, %mul3A_5 : i32
    "tpu.region"() ({
      %run_scoped3A = memref.alloca() : memref<2x1x128xi32, #tpu.memory_space<vmem>>
      %run_scoped3A_7 = tpu.sem_alloc : memref<2x!tpu.dma_semaphore, #tpu.memory_space<semaphore_mem>>
      %run_scoped3A_8 = memref.alloca() : memref<2x128x384xf32, #tpu.memory_space<vmem>>
      %run_scoped3A_9 = tpu.sem_alloc : memref<2x!tpu.dma_semaphore, #tpu.memory_space<semaphore_mem>>
      %add3A_10 = arith.constant 0 : i32
      %add3A_11 = arith.addi %add3A_10, %mul3A_6 : i32
      %select_n3A = arith.constant true
      %select_n3A_12 = arith.constant 0 : i32
      %select_n3A_13 = arith.constant -1 : i32
      %select_n3A_14 = arith.select %select_n3A, %select_n3A_13, %select_n3A_12 : i32
      %eq3A = arith.constant -1 : i32
      %eq3A_15 = arith.cmpi eq, %select_n3A_14, %eq3A : i32
      %select_n3A_16 = arith.constant 1 : i32
      %select_n3A_17 = arith.select %eq3A_15, %select_n3A_16, %select_n3A_14 : i32
      %add3A_18 = arith.addi %select_n3A_17, %mul3A_6 : i32
      %select_n3A_19 = arith.constant true
      %select_n3A_20 = arith.constant 0 : i32
      %select_n3A_21 = arith.constant 1 : i32
      %select_n3A_22 = arith.select %select_n3A_19, %select_n3A_21, %select_n3A_20 : i32
      %eq3A_23 = arith.constant 2 : i32
      %eq3A_24 = arith.cmpi eq, %select_n3A_22, %eq3A_23 : i32
      %select_n3A_25 = arith.constant 0 : i32
      %select_n3A_26 = arith.select %eq3A_24, %select_n3A_25, %select_n3A_22 : i32
      %add3A_27 = arith.addi %select_n3A_26, %mul3A_6 : i32
      %add3A_28 = arith.constant 1 : i32
      %add3A_29 = arith.addi %select_n3A_26, %add3A_28 : i32
      %select_n3A_30 = arith.constant true
      %select_n3A_31 = arith.select %select_n3A_30, %add3A_29, %select_n3A_26 : i32
      %eq3A_32 = arith.constant 2 : i32
      %eq3A_33 = arith.cmpi eq, %select_n3A_31, %eq3A_32 : i32
      %select_n3A_34 = arith.constant 0 : i32
      %select_n3A_35 = arith.select %eq3A_33, %select_n3A_34, %select_n3A_31 : i32
      %add3A_36 = arith.addi %select_n3A_35, %mul3A_6 : i32
      "tpu.trace_start"() <{level = 10 : i32, message = "ep_initialize_0"}> : () -> ()
      %rem3A = arith.constant 0 : i32
      %rem3A_37 = arith.constant 2 : i32
      %rem3A_38 = arith.remui %rem3A, %rem3A_37 : i32
      %mul3A_39 = arith.constant 128 : i32
      %mul3A_40 = arith.muli %mul3A_39, %add3A_11 : i32
      %dma_start3A = arith.constant 0 : i32
      %dma_start3A_41 = arith.constant 0 : i32
      %dma_start3A_42 = tpu.memref_slice %run_scoped3A[%rem3A_38, %dma_start3A, %dma_start3A_41] : memref<2x1x128xi32, #tpu.memory_space<vmem>> -> memref<1x1x128xi32, #tpu.memory_space<vmem>>
      %dma_start3A_43 = tpu.memref_squeeze %dma_start3A_42 : memref<1x1x128xi32, #tpu.memory_space<vmem>> -> memref<1x128xi32, #tpu.memory_space<vmem>>
      %dma_start3A_44 = arith.constant 0 : i32
      %dma_start3A_45 = tpu.memref_slice %arg3[%dma_start3A_44, %mul3A_40] : memref<1x8192xi32, #tpu.memory_space<hbm>> -> memref<1x128xi32, #tpu.memory_space<hbm>>
      %dma_start3A_46 = tpu.memref_slice %run_scoped3A_7[%rem3A_38] : memref<2x!tpu.dma_semaphore, #tpu.memory_space<semaphore_mem>> -> memref<1x!tpu.dma_semaphore, #tpu.memory_space<semaphore_mem>>
      %dma_start3A_47 = tpu.memref_squeeze %dma_start3A_46 : memref<1x!tpu.dma_semaphore, #tpu.memory_space<semaphore_mem>> -> memref<!tpu.dma_semaphore, #tpu.memory_space<semaphore_mem>>
      %dma_start3A_48 = arith.constant 0 : i32
      %dma_start3A_49 = arith.constant 0 : i32
      %dma_start3A_50 = tpu.memref_slice %run_scoped3A[%rem3A_38, %dma_start3A_48, %dma_start3A_49] : memref<2x1x128xi32, #tpu.memory_space<vmem>> -> memref<1x1x128xi32, #tpu.memory_space<vmem>>
      %dma_start3A_51 = tpu.memref_squeeze %dma_start3A_50 : memref<1x1x128xi32, #tpu.memory_space<vmem>> -> memref<1x128xi32, #tpu.memory_space<vmem>>
      %dma_start3A_52 = arith.constant 0 : i32
      %dma_start3A_53 = tpu.memref_slice %arg3[%dma_start3A_52, %mul3A_40] : memref<1x8192xi32, #tpu.memory_space<hbm>> -> memref<1x128xi32, #tpu.memory_space<hbm>>
      tpu.enqueue_dma source(%dma_start3A_53 : memref<1x128xi32, #tpu.memory_space<hbm>>) target(%dma_start3A_51 : memref<1x128xi32, #tpu.memory_space<vmem>>) target_semaphore(%dma_start3A_47 : memref<!tpu.dma_semaphore, #tpu.memory_space<semaphore_mem>>)
      %add3A_54 = arith.constant 0 : i32
      %add3A_55 = arith.constant 1 : i32
      %add3A_56 = arith.addi %add3A_54, %add3A_55 : i32
      %select_n3A_57 = arith.constant true
      %select_n3A_58 = arith.constant 0 : i32
      %select_n3A_59 = arith.select %select_n3A_57, %add3A_56, %select_n3A_58 : i32
      "tpu.trace_stop"() : () -> ()
      %scan3A = arith.constant 0 : i32
      %scan3A_60 = arith.constant 0 : i32
      %scan3A_61 = arith.constant 0 : i32
      %scan3A_62 = arith.constant 0 : i32
      %scan3A_63 = arith.constant 0 : i32
      %scan3A_64 = arith.constant 2 : i32
      %scan3A_65 = arith.addi %scan3A_63, %scan3A_64 : i32
      %scan3A_66 = arith.constant 1 : i32
      %scan3A_67:5 = scf.for %scan3A_121 = %scan3A_63 to %scan3A_65 step %scan3A_66 iter_args(%scan3A_122 = %select_n3A_59, %scan3A_123 = %scan3A, %scan3A_124 = %scan3A_60, %scan3A_125 = %scan3A_61, %scan3A_126 = %scan3A_62) -> (i32, i32, i32, i32, i32)  : i32 {
        %eq3A_127 = arith.constant 0 : i32
        %eq3A_128 = arith.cmpi eq, %scan3A_121, %eq3A_127 : i32
        %eq3A_129 = arith.constant 1 : i32
        %eq3A_130 = arith.cmpi eq, %scan3A_121, %eq3A_129 : i32
        %add3A_131 = arith.addi %scan3A_126, %mul3A_6 : i32
        %sub3A_132 = arith.constant 1 : i32
        %sub3A_133 = arith.subi %scan3A_126, %sub3A_132 : i32
        %select_n3A_134 = arith.constant true
        %select_n3A_135 = arith.select %select_n3A_134, %sub3A_133, %scan3A_126 : i32
        %eq3A_136 = arith.constant -1 : i32
        %eq3A_137 = arith.cmpi eq, %select_n3A_135, %eq3A_136 : i32
        %select_n3A_138 = arith.constant 1 : i32
        %select_n3A_139 = arith.select %eq3A_137, %select_n3A_138, %select_n3A_135 : i32
        %add3A_140 = arith.addi %select_n3A_139, %mul3A_6 : i32
        %add3A_141 = arith.constant 1 : i32
        %add3A_142 = arith.addi %scan3A_126, %add3A_141 : i32
        %select_n3A_143 = arith.constant true
        %select_n3A_144 = arith.select %select_n3A_143, %add3A_142, %scan3A_126 : i32
        %eq3A_145 = arith.constant 2 : i32
        %eq3A_146 = arith.cmpi eq, %select_n3A_144, %eq3A_145 : i32
        %select_n3A_147 = arith.constant 0 : i32
        %select_n3A_148 = arith.select %eq3A_146, %select_n3A_147, %select_n3A_144 : i32
        %add3A_149 = arith.addi %select_n3A_148, %mul3A_6 : i32
        %add3A_150 = arith.constant 1 : i32
        %add3A_151 = arith.addi %select_n3A_148, %add3A_150 : i32
        %select_n3A_152 = arith.constant true
        %select_n3A_153 = arith.select %select_n3A_152, %add3A_151, %select_n3A_148 : i32
        %eq3A_154 = arith.constant 2 : i32
        %eq3A_155 = arith.cmpi eq, %select_n3A_153, %eq3A_154 : i32
        %select_n3A_156 = arith.constant 0 : i32
        %select_n3A_157 = arith.select %eq3A_155, %select_n3A_156, %select_n3A_153 : i32
        %add3A_158 = arith.addi %select_n3A_157, %mul3A_6 : i32
        %ne3A = arith.cmpi ne, %add3A_131, %add3A_149 : i32
        %or3A = arith.constant false
        %or3A_159 = arith.ori %or3A, %ne3A : i1
        %ge3A = arith.constant 1 : i32
        %ge3A_160 = arith.cmpi sge, %scan3A_121, %ge3A : i32
        %not3A = arith.constant true
        %not3A_161 = arith.xori %ge3A_160, %not3A : i1
        %and3A = arith.andi %or3A_159, %not3A_161 : i1
        %convert_element_type3A = arith.extui %and3A : i1 to i32
        %cond3A = arith.constant 0 : i32
        %cond3A_162 = arith.cmpi ne, %convert_element_type3A, %cond3A : i32
        scf.if %cond3A_162 {
          "tpu.trace_start"() <{level = 10 : i32, message = "ep_copy_in"}> : () -> ()
          %rem3A_264 = arith.constant 2 : i32
          %rem3A_265 = arith.remui %scan3A_122, %rem3A_264 : i32
          %mul3A_266 = arith.constant 128 : i32
          %mul3A_267 = arith.muli %mul3A_266, %add3A_149 : i32
          %dma_start3A_268 = arith.constant 0 : i32
          %dma_start3A_269 = arith.constant 0 : i32
          %dma_start3A_270 = tpu.memref_slice %run_scoped3A[%rem3A_265, %dma_start3A_268, %dma_start3A_269] : memref<2x1x128xi32, #tpu.memory_space<vmem>> -> memref<1x1x128xi32, #tpu.memory_space<vmem>>
          %dma_start3A_271 = tpu.memref_squeeze %dma_start3A_270 : memref<1x1x128xi32, #tpu.memory_space<vmem>> -> memref<1x128xi32, #tpu.memory_space<vmem>>
          %dma_start3A_272 = arith.constant 0 : i32
          %dma_start3A_273 = tpu.memref_slice %arg3[%dma_start3A_272, %mul3A_267] : memref<1x8192xi32, #tpu.memory_space<hbm>> -> memref<1x128xi32, #tpu.memory_space<hbm>>
          %dma_start3A_274 = tpu.memref_slice %run_scoped3A_7[%rem3A_265] : memref<2x!tpu.dma_semaphore, #tpu.memory_space<semaphore_mem>> -> memref<1x!tpu.dma_semaphore, #tpu.memory_space<semaphore_mem>>
          %dma_start3A_275 = tpu.memref_squeeze %dma_start3A_274 : memref<1x!tpu.dma_semaphore, #tpu.memory_space<semaphore_mem>> -> memref<!tpu.dma_semaphore, #tpu.memory_space<semaphore_mem>>
          %dma_start3A_276 = arith.constant 0 : i32
          %dma_start3A_277 = arith.constant 0 : i32
          %dma_start3A_278 = tpu.memref_slice %run_scoped3A[%rem3A_265, %dma_start3A_276, %dma_start3A_277] : memref<2x1x128xi32, #tpu.memory_space<vmem>> -> memref<1x1x128xi32, #tpu.memory_space<vmem>>
          %dma_start3A_279 = tpu.memref_squeeze %dma_start3A_278 : memref<1x1x128xi32, #tpu.memory_space<vmem>> -> memref<1x128xi32, #tpu.memory_space<vmem>>
          %dma_start3A_280 = arith.constant 0 : i32
          %dma_start3A_281 = tpu.memref_slice %arg3[%dma_start3A_280, %mul3A_267] : memref<1x8192xi32, #tpu.memory_space<hbm>> -> memref<1x128xi32, #tpu.memory_space<hbm>>
          tpu.enqueue_dma source(%dma_start3A_281 : memref<1x128xi32, #tpu.memory_space<hbm>>) target(%dma_start3A_279 : memref<1x128xi32, #tpu.memory_space<vmem>>) target_semaphore(%dma_start3A_275 : memref<!tpu.dma_semaphore, #tpu.memory_space<semaphore_mem>>)
          "tpu.trace_stop"() : () -> ()
        } else {
        }
        %and3A_163 = arith.constant true
        %and3A_164 = arith.andi %and3A, %and3A_163 : i1
        %add3A_165 = arith.constant 1 : i32
        %add3A_166 = arith.addi %scan3A_122, %add3A_165 : i32
        %select_n3A_167 = arith.select %and3A_164, %add3A_166, %scan3A_122 : i32
        %ne3A_168 = arith.cmpi ne, %add3A_131, %add3A_149 : i32
        %or3A_169 = arith.constant false
        %or3A_170 = arith.ori %or3A_169, %ne3A_168 : i1
        %or3A_171 = arith.constant false
        %or3A_172 = arith.ori %or3A_170, %or3A_171 : i1
        %ge3A_173 = arith.constant 1 : i32
        %ge3A_174 = arith.cmpi sge, %scan3A_121, %ge3A_173 : i32
        %not3A_175 = arith.constant true
        %not3A_176 = arith.xori %ge3A_174, %not3A_175 : i1
        %and3A_177 = arith.andi %or3A_172, %not3A_176 : i1
        %ne3A_178 = arith.cmpi ne, %add3A_131, %add3A_140 : i32
        %or3A_179 = arith.constant false
        %or3A_180 = arith.ori %or3A_179, %ne3A_178 : i1
        %or3A_181 = arith.ori %or3A_180, %eq3A_128 : i1
        %convert_element_type3A_182 = arith.extui %or3A_181 : i1 to i32
        %cond3A_183 = arith.constant 0 : i32
        %cond3A_184 = arith.cmpi ne, %convert_element_type3A_182, %cond3A_183 : i32
        scf.if %cond3A_184 {
          "tpu.trace_start"() <{level = 10 : i32, message = "ep_wait_in"}> : () -> ()
          %mul3A_264 = arith.constant 128 : i32
          %mul3A_265 = arith.muli %mul3A_264, %add3A_131 : i32
          %rem3A_266 = arith.constant 2 : i32
          %rem3A_267 = arith.remui %scan3A_123, %rem3A_266 : i32
          %dma_wait3A_268 = arith.constant 0 : i32
          %dma_wait3A_269 = arith.constant 0 : i32
          %dma_wait3A_270 = tpu.memref_slice %run_scoped3A[%rem3A_267, %dma_wait3A_268, %dma_wait3A_269] : memref<2x1x128xi32, #tpu.memory_space<vmem>> -> memref<1x1x128xi32, #tpu.memory_space<vmem>>
          %dma_wait3A_271 = tpu.memref_squeeze %dma_wait3A_270 : memref<1x1x128xi32, #tpu.memory_space<vmem>> -> memref<1x128xi32, #tpu.memory_space<vmem>>
          %dma_wait3A_272 = arith.constant 0 : i32
          %dma_wait3A_273 = tpu.memref_slice %arg3[%dma_wait3A_272, %mul3A_265] : memref<1x8192xi32, #tpu.memory_space<hbm>> -> memref<1x128xi32, #tpu.memory_space<hbm>>
          %dma_wait3A_274 = tpu.memref_slice %run_scoped3A_7[%rem3A_267] : memref<2x!tpu.dma_semaphore, #tpu.memory_space<semaphore_mem>> -> memref<1x!tpu.dma_semaphore, #tpu.memory_space<semaphore_mem>>
          %dma_wait3A_275 = tpu.memref_squeeze %dma_wait3A_274 : memref<1x!tpu.dma_semaphore, #tpu.memory_space<semaphore_mem>> -> memref<!tpu.dma_semaphore, #tpu.memory_space<semaphore_mem>>
          %dma_wait3A_276 = arith.constant 0 : i32
          %dma_wait3A_277 = arith.constant 0 : i32
          %dma_wait3A_278 = tpu.memref_slice %run_scoped3A[%rem3A_267, %dma_wait3A_276, %dma_wait3A_277] : memref<2x1x128xi32, #tpu.memory_space<vmem>> -> memref<1x1x128xi32, #tpu.memory_space<vmem>>
          %dma_wait3A_279 = tpu.memref_squeeze %dma_wait3A_278 : memref<1x1x128xi32, #tpu.memory_space<vmem>> -> memref<1x128xi32, #tpu.memory_space<vmem>>
          %dma_wait3A_280 = arith.constant 0 : i32
          %dma_wait3A_281 = tpu.memref_slice %arg3[%dma_wait3A_280, %mul3A_265] : memref<1x8192xi32, #tpu.memory_space<hbm>> -> memref<1x128xi32, #tpu.memory_space<hbm>>
          tpu.wait_dma2 semaphore(%dma_wait3A_275 : memref<!tpu.dma_semaphore, #tpu.memory_space<semaphore_mem>>) src(%dma_wait3A_281 : memref<1x128xi32, #tpu.memory_space<hbm>>) dst(%dma_wait3A_279 : memref<1x128xi32, #tpu.memory_space<vmem>>)
          "tpu.trace_stop"() : () -> ()
        } else {
        }
        %ne3A_185 = arith.cmpi ne, %add3A_131, %add3A_140 : i32
        %or3A_186 = arith.constant false
        %or3A_187 = arith.ori %or3A_186, %ne3A_185 : i1
        %or3A_188 = arith.constant false
        %or3A_189 = arith.ori %or3A_187, %or3A_188 : i1
        %or3A_190 = arith.ori %or3A_189, %eq3A_128 : i1
        %convert_element_type3A_191 = arith.extui %or3A_190 : i1 to i32
        %cond3A_192 = arith.constant 0 : i32
        %cond3A_193 = arith.cmpi ne, %convert_element_type3A_191, %cond3A_192 : i32
        scf.if %cond3A_193 {
        } else {
        }
        %rem3A_194 = arith.constant 2 : i32
        %rem3A_195 = arith.remui %scan3A_123, %rem3A_194 : i32
        %rem3A_196 = arith.constant 2 : i32
        %rem3A_197 = arith.remui %scan3A_124, %rem3A_196 : i32
        %run_scoped3A_198 = arith.constant 0 : i32
        "tpu.trace_start"() <{level = 10 : i32, message = "ep_run_kernel"}> : () -> ()
        "tpu.region"() ({
          %run_scoped3A_264 = tpu.sem_alloc : memref<!tpu.dma_semaphore, #tpu.memory_space<semaphore_mem>>
          %dma_start3A_265 = arith.constant 0 : i32
          %dma_start3A_266 = arith.constant 0 : i32
          %dma_start3A_267 = tpu.memref_slice %run_scoped3A_8[%rem3A_197, %dma_start3A_265, %dma_start3A_266] : memref<2x128x384xf32, #tpu.memory_space<vmem>> -> memref<1x128x384xf32, #tpu.memory_space<vmem>>
          %dma_start3A_268 = tpu.memref_squeeze %dma_start3A_267 : memref<1x128x384xf32, #tpu.memory_space<vmem>> -> memref<128x384xf32, #tpu.memory_space<vmem>>
          %dma_start3A_269 = arith.constant 0 : i32
          %dma_start3A_270 = arith.constant 0 : i32
          %dma_start3A_271 = tpu.memref_slice %run_scoped3A[%rem3A_195, %dma_start3A_269, %dma_start3A_270] : memref<2x1x128xi32, #tpu.memory_space<vmem>> -> memref<1x1x128xi32, #tpu.memory_space<vmem>>
          %dma_start3A_272 = tpu.memref_squeeze %dma_start3A_271 : memref<1x1x128xi32, #tpu.memory_space<vmem>> -> memref<1x128xi32, #tpu.memory_space<vmem>>
          %dma_start3A_273 = arith.constant 0 : i32
          %dma_start3A_274 = tpu.memref_slice %dma_start3A_272[%run_scoped3A_198, %dma_start3A_273] : memref<1x128xi32, #tpu.memory_space<vmem>> -> memref<1x128xi32, #tpu.memory_space<vmem>>
          %dma_start3A_275 = tpu.memref_squeeze %dma_start3A_274 : memref<1x128xi32, #tpu.memory_space<vmem>> -> memref<128xi32, #tpu.memory_space<vmem>>
          %dma_start3A_276 = arith.constant 0 : i32
          %dma_start3A_277 = arith.constant 0 : i32
          %dma_start3A_278 = tpu.memref_slice %arg2[%dma_start3A_276, %dma_start3A_277] : memref<10240x384xf32, #tpu.memory_space<hbm>> -> memref<10240x384xf32, #tpu.memory_space<hbm>>
          tpu.enqueue_indirect_dma source(%dma_start3A_278 : memref<10240x384xf32, #tpu.memory_space<hbm>>) target(%dma_start3A_268 : memref<128x384xf32, #tpu.memory_space<vmem>>) offsets(%dma_start3A_275 : memref<128xi32, #tpu.memory_space<vmem>>) semaphore(%run_scoped3A_264 : memref<!tpu.dma_semaphore, #tpu.memory_space<semaphore_mem>>)
          %dma_wait3A_279 = arith.constant 0 : i32
          %dma_wait3A_280 = arith.constant 0 : i32
          %dma_wait3A_281 = tpu.memref_slice %run_scoped3A_8[%rem3A_197, %dma_wait3A_279, %dma_wait3A_280] : memref<2x128x384xf32, #tpu.memory_space<vmem>> -> memref<1x128x384xf32, #tpu.memory_space<vmem>>
          %dma_wait3A_282 = tpu.memref_squeeze %dma_wait3A_281 : memref<1x128x384xf32, #tpu.memory_space<vmem>> -> memref<128x384xf32, #tpu.memory_space<vmem>>
          %dma_wait3A_283 = arith.constant 0 : i32
          %dma_wait3A_284 = arith.constant 0 : i32
          %dma_wait3A_285 = tpu.memref_slice %run_scoped3A[%rem3A_195, %dma_wait3A_283, %dma_wait3A_284] : memref<2x1x128xi32, #tpu.memory_space<vmem>> -> memref<1x1x128xi32, #tpu.memory_space<vmem>>
          %dma_wait3A_286 = tpu.memref_squeeze %dma_wait3A_285 : memref<1x1x128xi32, #tpu.memory_space<vmem>> -> memref<1x128xi32, #tpu.memory_space<vmem>>
          %dma_wait3A_287 = arith.constant 0 : i32
          %dma_wait3A_288 = tpu.memref_slice %dma_wait3A_286[%run_scoped3A_198, %dma_wait3A_287] : memref<1x128xi32, #tpu.memory_space<vmem>> -> memref<1x128xi32, #tpu.memory_space<vmem>>
          %dma_wait3A_289 = tpu.memref_squeeze %dma_wait3A_288 : memref<1x128xi32, #tpu.memory_space<vmem>> -> memref<128xi32, #tpu.memory_space<vmem>>
          %dma_wait3A_290 = arith.constant 0 : i32
          %dma_wait3A_291 = arith.constant 0 : i32
          %dma_wait3A_292 = tpu.memref_slice %arg2[%dma_wait3A_290, %dma_wait3A_291] : memref<10240x384xf32, #tpu.memory_space<hbm>> -> memref<10240x384xf32, #tpu.memory_space<hbm>>
          tpu.wait_indirect_dma semaphore(%run_scoped3A_264 : memref<!tpu.dma_semaphore, #tpu.memory_space<semaphore_mem>>) src(%dma_wait3A_292 : memref<10240x384xf32, #tpu.memory_space<hbm>>) dst(%dma_wait3A_282 : memref<128x384xf32, #tpu.memory_space<vmem>>)
          tpu.yield
        }) : () -> ()
        "tpu.trace_stop"() : () -> ()
        %ne3A_199 = arith.cmpi ne, %add3A_131, %add3A_149 : i32
        %or3A_200 = arith.constant false
        %or3A_201 = arith.ori %or3A_200, %ne3A_199 : i1
        %or3A_202 = arith.ori %or3A_201, %eq3A_130 : i1
        %convert_element_type3A_203 = arith.extui %or3A_202 : i1 to i32
        %cond3A_204 = arith.constant 0 : i32
        %cond3A_205 = arith.cmpi ne, %convert_element_type3A_203, %cond3A_204 : i32
        scf.if %cond3A_205 {
        } else {
        }
        %and3A_206 = arith.constant false
        %and3A_207 = arith.andi %or3A_202, %and3A_206 : i1
        %ne3A_208 = arith.cmpi ne, %add3A_131, %add3A_149 : i32
        %or3A_209 = arith.constant false
        %or3A_210 = arith.ori %or3A_209, %ne3A_208 : i1
        %or3A_211 = arith.constant false
        %or3A_212 = arith.ori %or3A_210, %or3A_211 : i1
        %or3A_213 = arith.ori %or3A_212, %eq3A_130 : i1
        %convert_element_type3A_214 = arith.extui %or3A_213 : i1 to i32
        %cond3A_215 = arith.constant 0 : i32
        %cond3A_216 = arith.cmpi ne, %convert_element_type3A_214, %cond3A_215 : i32
        scf.if %cond3A_216 {
          "tpu.trace_start"() <{level = 10 : i32, message = "ep_copy_out"}> : () -> ()
          %rem3A_264 = arith.constant 2 : i32
          %rem3A_265 = arith.remui %scan3A_124, %rem3A_264 : i32
          %mul3A_266 = arith.constant 128 : i32
          %mul3A_267 = arith.muli %mul3A_266, %add3A_131 : i32
          %dma_start3A_268 = arith.constant 0 : i32
          %dma_start3A_269 = arith.constant 0 : i32
          %dma_start3A_270 = tpu.memref_slice %run_scoped3A_8[%rem3A_265, %dma_start3A_268, %dma_start3A_269] : memref<2x128x384xf32, #tpu.memory_space<vmem>> -> memref<1x128x384xf32, #tpu.memory_space<vmem>>
          %dma_start3A_271 = tpu.memref_squeeze %dma_start3A_270 : memref<1x128x384xf32, #tpu.memory_space<vmem>> -> memref<128x384xf32, #tpu.memory_space<vmem>>
          %dma_start3A_272 = arith.constant 0 : i32
          %dma_start3A_273 = tpu.memref_slice %arg4[%mul3A_267, %dma_start3A_272] : memref<8192x384xf32, #tpu.memory_space<hbm>> -> memref<128x384xf32, #tpu.memory_space<hbm>>
          %dma_start3A_274 = tpu.memref_slice %run_scoped3A_9[%rem3A_265] : memref<2x!tpu.dma_semaphore, #tpu.memory_space<semaphore_mem>> -> memref<1x!tpu.dma_semaphore, #tpu.memory_space<semaphore_mem>>
          %dma_start3A_275 = tpu.memref_squeeze %dma_start3A_274 : memref<1x!tpu.dma_semaphore, #tpu.memory_space<semaphore_mem>> -> memref<!tpu.dma_semaphore, #tpu.memory_space<semaphore_mem>>
          %dma_start3A_276 = arith.constant 0 : i32
          %dma_start3A_277 = tpu.memref_slice %arg4[%mul3A_267, %dma_start3A_276] : memref<8192x384xf32, #tpu.memory_space<hbm>> -> memref<128x384xf32, #tpu.memory_space<hbm>>
          %dma_start3A_278 = arith.constant 0 : i32
          %dma_start3A_279 = arith.constant 0 : i32
          %dma_start3A_280 = tpu.memref_slice %run_scoped3A_8[%rem3A_265, %dma_start3A_278, %dma_start3A_279] : memref<2x128x384xf32, #tpu.memory_space<vmem>> -> memref<1x128x384xf32, #tpu.memory_space<vmem>>
          %dma_start3A_281 = tpu.memref_squeeze %dma_start3A_280 : memref<1x128x384xf32, #tpu.memory_space<vmem>> -> memref<128x384xf32, #tpu.memory_space<vmem>>
          tpu.enqueue_dma source(%dma_start3A_281 : memref<128x384xf32, #tpu.memory_space<vmem>>) target(%dma_start3A_277 : memref<128x384xf32, #tpu.memory_space<hbm>>) target_semaphore(%dma_start3A_275 : memref<!tpu.dma_semaphore, #tpu.memory_space<semaphore_mem>>)
          "tpu.trace_stop"() : () -> ()
        } else {
        }
        %and3A_217 = arith.constant true
        %and3A_218 = arith.andi %or3A_213, %and3A_217 : i1
        %add3A_219 = arith.constant 1 : i32
        %add3A_220 = arith.addi %scan3A_124, %add3A_219 : i32
        %select_n3A_221 = arith.select %and3A_218, %add3A_220, %scan3A_124 : i32
        %ne3A_222 = arith.cmpi ne, %add3A_131, %add3A_140 : i32
        %or3A_223 = arith.constant false
        %or3A_224 = arith.ori %or3A_223, %ne3A_222 : i1
        %not3A_225 = arith.constant true
        %not3A_226 = arith.xori %eq3A_128, %not3A_225 : i1
        %and3A_227 = arith.andi %or3A_224, %not3A_226 : i1
        %convert_element_type3A_228 = arith.extui %and3A_227 : i1 to i32
        %cond3A_229 = arith.constant 0 : i32
        %cond3A_230 = arith.cmpi ne, %convert_element_type3A_228, %cond3A_229 : i32
        scf.if %cond3A_230 {
        } else {
        }
        %and3A_231 = arith.constant false
        %and3A_232 = arith.andi %and3A_227, %and3A_231 : i1
        %ne3A_233 = arith.cmpi ne, %add3A_131, %add3A_140 : i32
        %or3A_234 = arith.constant false
        %or3A_235 = arith.ori %or3A_234, %ne3A_233 : i1
        %or3A_236 = arith.constant false
        %or3A_237 = arith.ori %or3A_235, %or3A_236 : i1
        %not3A_238 = arith.constant true
        %not3A_239 = arith.xori %eq3A_128, %not3A_238 : i1
        %and3A_240 = arith.andi %or3A_237, %not3A_239 : i1
        %convert_element_type3A_241 = arith.extui %and3A_240 : i1 to i32
        %cond3A_242 = arith.constant 0 : i32
        %cond3A_243 = arith.cmpi ne, %convert_element_type3A_241, %cond3A_242 : i32
        scf.if %cond3A_243 {
          "tpu.trace_start"() <{level = 10 : i32, message = "ep_wait_out"}> : () -> ()
          %rem3A_264 = arith.constant 2 : i32
          %rem3A_265 = arith.remui %scan3A_125, %rem3A_264 : i32
          %mul3A_266 = arith.constant 128 : i32
          %mul3A_267 = arith.muli %mul3A_266, %add3A_140 : i32
          %dma_wait3A_268 = arith.constant 0 : i32
          %dma_wait3A_269 = arith.constant 0 : i32
          %dma_wait3A_270 = tpu.memref_slice %run_scoped3A_8[%rem3A_265, %dma_wait3A_268, %dma_wait3A_269] : memref<2x128x384xf32, #tpu.memory_space<vmem>> -> memref<1x128x384xf32, #tpu.memory_space<vmem>>
          %dma_wait3A_271 = tpu.memref_squeeze %dma_wait3A_270 : memref<1x128x384xf32, #tpu.memory_space<vmem>> -> memref<128x384xf32, #tpu.memory_space<vmem>>
          %dma_wait3A_272 = arith.constant 0 : i32
          %dma_wait3A_273 = tpu.memref_slice %arg4[%mul3A_267, %dma_wait3A_272] : memref<8192x384xf32, #tpu.memory_space<hbm>> -> memref<128x384xf32, #tpu.memory_space<hbm>>
          %dma_wait3A_274 = tpu.memref_slice %run_scoped3A_9[%rem3A_265] : memref<2x!tpu.dma_semaphore, #tpu.memory_space<semaphore_mem>> -> memref<1x!tpu.dma_semaphore, #tpu.memory_space<semaphore_mem>>
          %dma_wait3A_275 = tpu.memref_squeeze %dma_wait3A_274 : memref<1x!tpu.dma_semaphore, #tpu.memory_space<semaphore_mem>> -> memref<!tpu.dma_semaphore, #tpu.memory_space<semaphore_mem>>
          %dma_wait3A_276 = arith.constant 0 : i32
          %dma_wait3A_277 = tpu.memref_slice %arg4[%mul3A_267, %dma_wait3A_276] : memref<8192x384xf32, #tpu.memory_space<hbm>> -> memref<128x384xf32, #tpu.memory_space<hbm>>
          %dma_wait3A_278 = arith.constant 0 : i32
          %dma_wait3A_279 = arith.constant 0 : i32
          %dma_wait3A_280 = tpu.memref_slice %run_scoped3A_8[%rem3A_265, %dma_wait3A_278, %dma_wait3A_279] : memref<2x128x384xf32, #tpu.memory_space<vmem>> -> memref<1x128x384xf32, #tpu.memory_space<vmem>>
          %dma_wait3A_281 = tpu.memref_squeeze %dma_wait3A_280 : memref<1x128x384xf32, #tpu.memory_space<vmem>> -> memref<128x384xf32, #tpu.memory_space<vmem>>
          tpu.wait_dma2 semaphore(%dma_wait3A_275 : memref<!tpu.dma_semaphore, #tpu.memory_space<semaphore_mem>>) src(%dma_wait3A_281 : memref<128x384xf32, #tpu.memory_space<vmem>>) dst(%dma_wait3A_277 : memref<128x384xf32, #tpu.memory_space<hbm>>)
          "tpu.trace_stop"() : () -> ()
        } else {
        }
        %and3A_244 = arith.constant true
        %and3A_245 = arith.andi %and3A_240, %and3A_244 : i1
        %add3A_246 = arith.constant 1 : i32
        %add3A_247 = arith.addi %scan3A_125, %add3A_246 : i32
        %select_n3A_248 = arith.select %and3A_245, %add3A_247, %scan3A_125 : i32
        %ne3A_249 = arith.cmpi ne, %add3A_131, %add3A_149 : i32
        %or3A_250 = arith.constant false
        %or3A_251 = arith.ori %or3A_250, %ne3A_249 : i1
        %or3A_252 = arith.ori %or3A_251, %eq3A_130 : i1
        %add3A_253 = arith.constant 1 : i32
        %add3A_254 = arith.addi %scan3A_123, %add3A_253 : i32
        %select_n3A_255 = arith.select %or3A_252, %add3A_254, %scan3A_123 : i32
        %add3A_256 = arith.constant 1 : i32
        %add3A_257 = arith.addi %scan3A_126, %add3A_256 : i32
        %select_n3A_258 = arith.constant true
        %select_n3A_259 = arith.select %select_n3A_258, %add3A_257, %scan3A_126 : i32
        %eq3A_260 = arith.constant 2 : i32
        %eq3A_261 = arith.cmpi eq, %select_n3A_259, %eq3A_260 : i32
        %select_n3A_262 = arith.constant 0 : i32
        %select_n3A_263 = arith.select %eq3A_261, %select_n3A_262, %select_n3A_259 : i32
        scf.yield %select_n3A_167, %select_n3A_255, %select_n3A_221, %select_n3A_248, %select_n3A_263 : i32, i32, i32, i32, i32
      }
      %scan3A_68 = arith.constant 2 : i32
      %sub3A = arith.constant 1 : i32
      %sub3A_69 = arith.subi %scan3A_67#4, %sub3A : i32
      %select_n3A_70 = arith.constant true
      %select_n3A_71 = arith.select %select_n3A_70, %sub3A_69, %scan3A_67#4 : i32
      %eq3A_72 = arith.constant -1 : i32
      %eq3A_73 = arith.cmpi eq, %select_n3A_71, %eq3A_72 : i32
      %select_n3A_74 = arith.constant 1 : i32
      %select_n3A_75 = arith.select %eq3A_73, %select_n3A_74, %select_n3A_71 : i32
      %add3A_76 = arith.addi %select_n3A_75, %mul3A_6 : i32
      %sub3A_77 = arith.constant 1 : i32
      %sub3A_78 = arith.subi %select_n3A_75, %sub3A_77 : i32
      %select_n3A_79 = arith.constant true
      %select_n3A_80 = arith.select %select_n3A_79, %sub3A_78, %select_n3A_75 : i32
      %eq3A_81 = arith.constant -1 : i32
      %eq3A_82 = arith.cmpi eq, %select_n3A_80, %eq3A_81 : i32
      %select_n3A_83 = arith.constant 1 : i32
      %select_n3A_84 = arith.select %eq3A_82, %select_n3A_83, %select_n3A_80 : i32
      %add3A_85 = arith.addi %select_n3A_84, %mul3A_6 : i32
      %add3A_86 = arith.constant 1 : i32
      %add3A_87 = arith.addi %select_n3A_75, %add3A_86 : i32
      %select_n3A_88 = arith.constant true
      %select_n3A_89 = arith.select %select_n3A_88, %add3A_87, %select_n3A_75 : i32
      %eq3A_90 = arith.constant 2 : i32
      %eq3A_91 = arith.cmpi eq, %select_n3A_89, %eq3A_90 : i32
      %select_n3A_92 = arith.constant 0 : i32
      %select_n3A_93 = arith.select %eq3A_91, %select_n3A_92, %select_n3A_89 : i32
      %add3A_94 = arith.addi %select_n3A_93, %mul3A_6 : i32
      %add3A_95 = arith.constant 1 : i32
      %add3A_96 = arith.addi %select_n3A_93, %add3A_95 : i32
      %select_n3A_97 = arith.constant true
      %select_n3A_98 = arith.select %select_n3A_97, %add3A_96, %select_n3A_93 : i32
      %eq3A_99 = arith.constant 2 : i32
      %eq3A_100 = arith.cmpi eq, %select_n3A_98, %eq3A_99 : i32
      %select_n3A_101 = arith.constant 0 : i32
      %select_n3A_102 = arith.select %eq3A_100, %select_n3A_101, %select_n3A_98 : i32
      %add3A_103 = arith.addi %select_n3A_102, %mul3A_6 : i32
      "tpu.trace_start"() <{level = 10 : i32, message = "ep_finalize"}> : () -> ()
      %rem3A_104 = arith.constant 2 : i32
      %rem3A_105 = arith.remui %scan3A_67#3, %rem3A_104 : i32
      %mul3A_106 = arith.constant 128 : i32
      %mul3A_107 = arith.muli %mul3A_106, %add3A_76 : i32
      %dma_wait3A = arith.constant 0 : i32
      %dma_wait3A_108 = arith.constant 0 : i32
      %dma_wait3A_109 = tpu.memref_slice %run_scoped3A_8[%rem3A_105, %dma_wait3A, %dma_wait3A_108] : memref<2x128x384xf32, #tpu.memory_space<vmem>> -> memref<1x128x384xf32, #tpu.memory_space<vmem>>
      %dma_wait3A_110 = tpu.memref_squeeze %dma_wait3A_109 : memref<1x128x384xf32, #tpu.memory_space<vmem>> -> memref<128x384xf32, #tpu.memory_space<vmem>>
      %dma_wait3A_111 = arith.constant 0 : i32
      %dma_wait3A_112 = tpu.memref_slice %arg4[%mul3A_107, %dma_wait3A_111] : memref<8192x384xf32, #tpu.memory_space<hbm>> -> memref<128x384xf32, #tpu.memory_space<hbm>>
      %dma_wait3A_113 = tpu.memref_slice %run_scoped3A_9[%rem3A_105] : memref<2x!tpu.dma_semaphore, #tpu.memory_space<semaphore_mem>> -> memref<1x!tpu.dma_semaphore, #tpu.memory_space<semaphore_mem>>
      %dma_wait3A_114 = tpu.memref_squeeze %dma_wait3A_113 : memref<1x!tpu.dma_semaphore, #tpu.memory_space<semaphore_mem>> -> memref<!tpu.dma_semaphore, #tpu.memory_space<semaphore_mem>>
      %dma_wait3A_115 = arith.constant 0 : i32
      %dma_wait3A_116 = tpu.memref_slice %arg4[%mul3A_107, %dma_wait3A_115] : memref<8192x384xf32, #tpu.memory_space<hbm>> -> memref<128x384xf32, #tpu.memory_space<hbm>>
      %dma_wait3A_117 = arith.constant 0 : i32
      %dma_wait3A_118 = arith.constant 0 : i32
      %dma_wait3A_119 = tpu.memref_slice %run_scoped3A_8[%rem3A_105, %dma_wait3A_117, %dma_wait3A_118] : memref<2x128x384xf32, #tpu.memory_space<vmem>> -> memref<1x128x384xf32, #tpu.memory_space<vmem>>
      %dma_wait3A_120 = tpu.memref_squeeze %dma_wait3A_119 : memref<1x128x384xf32, #tpu.memory_space<vmem>> -> memref<128x384xf32, #tpu.memory_space<vmem>>
      tpu.wait_dma2 semaphore(%dma_wait3A_114 : memref<!tpu.dma_semaphore, #tpu.memory_space<semaphore_mem>>) src(%dma_wait3A_120 : memref<128x384xf32, #tpu.memory_space<vmem>>) dst(%dma_wait3A_116 : memref<128x384xf32, #tpu.memory_space<hbm>>)
      "tpu.trace_stop"() : () -> ()
      tpu.yield
    }) : () -> ()
    return
  }
}

#map = affine_map<(d0, d1) -> (0, 0)>
module attributes {stable_mosaic.version = 14 : i64} {
  func.func @disp(%arg0: i32, %arg1: i32, %arg2: memref<4096x384xf32, #tpu.memory_space<hbm>>, %arg3: memref<1x8192xi32, #tpu.memory_space<hbm>>, %arg4: memref<10240x384xf32, #tpu.memory_space<hbm>>) attributes {dimension_semantics = [#tpu.dimension_semantics<core_parallel>, #tpu.dimension_semantics<subcore_parallel>], iteration_bounds = array<i64: 2, 16>, scalar_prefetch = 0 : i64, scratch_operands = 0 : i64, tpu.core_type = #tpu.core_type<sc_vector_subcore>, window_params = [{transform_indices = #map}, {transform_indices = #map}, {transform_indices = #map}]} {
    %mul3A = arith.constant 1 : i32
    %mul3A_0 = arith.muli %arg1, %mul3A : i32
    %add3A = arith.constant 0 : i32
    %add3A_1 = arith.addi %add3A, %mul3A_0 : i32
    %mul3A_2 = arith.constant 16 : i32
    %mul3A_3 = arith.muli %arg0, %mul3A_2 : i32
    %add3A_4 = arith.addi %add3A_1, %mul3A_3 : i32
    %mul3A_5 = arith.constant 2 : i32
    %mul3A_6 = arith.muli %add3A_4, %mul3A_5 : i32
    "tpu.region"() ({
      %run_scoped3A = memref.alloca() : memref<2x128x384xf32, #tpu.memory_space<vmem>>
      %run_scoped3A_7 = tpu.sem_alloc : memref<2x!tpu.dma_semaphore, #tpu.memory_space<semaphore_mem>>
      %run_scoped3A_8 = memref.alloca() : memref<2x1x128xi32, #tpu.memory_space<vmem>>
      %run_scoped3A_9 = tpu.sem_alloc : memref<2x!tpu.dma_semaphore, #tpu.memory_space<semaphore_mem>>
      %add3A_10 = arith.constant 0 : i32
      %add3A_11 = arith.addi %add3A_10, %mul3A_6 : i32
      %select_n3A = arith.constant true
      %select_n3A_12 = arith.constant 0 : i32
      %select_n3A_13 = arith.constant -1 : i32
      %select_n3A_14 = arith.select %select_n3A, %select_n3A_13, %select_n3A_12 : i32
      %eq3A = arith.constant -1 : i32
      %eq3A_15 = arith.cmpi eq, %select_n3A_14, %eq3A : i32
      %select_n3A_16 = arith.constant 1 : i32
      %select_n3A_17 = arith.select %eq3A_15, %select_n3A_16, %select_n3A_14 : i32
      %add3A_18 = arith.addi %select_n3A_17, %mul3A_6 : i32
      %select_n3A_19 = arith.constant true
      %select_n3A_20 = arith.constant 0 : i32
      %select_n3A_21 = arith.constant 1 : i32
      %select_n3A_22 = arith.select %select_n3A_19, %select_n3A_21, %select_n3A_20 : i32
      %eq3A_23 = arith.constant 2 : i32
      %eq3A_24 = arith.cmpi eq, %select_n3A_22, %eq3A_23 : i32
      %select_n3A_25 = arith.constant 0 : i32
      %select_n3A_26 = arith.select %eq3A_24, %select_n3A_25, %select_n3A_22 : i32
      %add3A_27 = arith.addi %select_n3A_26, %mul3A_6 : i32
      %add3A_28 = arith.constant 1 : i32
      %add3A_29 = arith.addi %select_n3A_26, %add3A_28 : i32
      %select_n3A_30 = arith.constant true
      %select_n3A_31 = arith.select %select_n3A_30, %add3A_29, %select_n3A_26 : i32
      %eq3A_32 = arith.constant 2 : i32
      %eq3A_33 = arith.cmpi eq, %select_n3A_31, %eq3A_32 : i32
      %select_n3A_34 = arith.constant 0 : i32
      %select_n3A_35 = arith.select %eq3A_33, %select_n3A_34, %select_n3A_31 : i32
      %add3A_36 = arith.addi %select_n3A_35, %mul3A_6 : i32
      "tpu.trace_start"() <{level = 10 : i32, message = "ep_initialize_0"}> : () -> ()
      %rem3A = arith.constant 0 : i32
      %rem3A_37 = arith.constant 2 : i32
      %rem3A_38 = arith.remui %rem3A, %rem3A_37 : i32
      %jit3A = arith.constant 16 : i32
      %eq3A_39 = arith.constant 0 : i32
      %eq3A_40 = arith.cmpi eq, %jit3A, %eq3A_39 : i32
      %jit3A_41 = arith.constant 1 : i32
      %select_n3A_42 = arith.select %eq3A_40, %jit3A_41, %jit3A : i32
      %rem3A_43 = arith.remsi %add3A_11, %select_n3A_42 : i32
      %ne3A = arith.constant 0 : i32
      %ne3A_44 = arith.cmpi ne, %rem3A_43, %ne3A : i32
      %lt3A = arith.constant 0 : i32
      %lt3A_45 = arith.cmpi slt, %rem3A_43, %lt3A : i32
      %lt3A_46 = arith.constant 0 : i32
      %lt3A_47 = arith.cmpi slt, %select_n3A_42, %lt3A_46 : i32
      %ne3A_48 = arith.xori %lt3A_45, %lt3A_47 : i1
      %and3A = arith.andi %ne3A_48, %ne3A_44 : i1
      %add3A_49 = arith.addi %rem3A_43, %select_n3A_42 : i32
      %select_n3A_50 = arith.select %and3A, %add3A_49, %rem3A_43 : i32
      %jit3A_51 = arith.constant 32 : i32
      %div3A = arith.divsi %add3A_11, %jit3A_51 : i32
      %sign3A = arith.constant 0 : i32
      %sign3A_52 = arith.cmpi sgt, %add3A_11, %sign3A : i32
      %sign3A_53 = arith.extui %sign3A_52 : i1 to i32
      %sign3A_54 = arith.constant 0 : i32
      %sign3A_55 = arith.cmpi slt, %add3A_11, %sign3A_54 : i32
      %sign3A_56 = arith.extui %sign3A_55 : i1 to i32
      %sign3A_57 = arith.subi %sign3A_53, %sign3A_56 : i32
      %sign3A_58 = arith.constant 0 : i32
      %sign3A_59 = arith.cmpi sgt, %jit3A_51, %sign3A_58 : i32
      %sign3A_60 = arith.extui %sign3A_59 : i1 to i32
      %sign3A_61 = arith.constant 0 : i32
      %sign3A_62 = arith.cmpi slt, %jit3A_51, %sign3A_61 : i32
      %sign3A_63 = arith.extui %sign3A_62 : i1 to i32
      %sign3A_64 = arith.subi %sign3A_60, %sign3A_63 : i32
      %ne3A_65 = arith.cmpi ne, %sign3A_57, %sign3A_64 : i32
      %rem3A_66 = arith.remsi %add3A_11, %jit3A_51 : i32
      %ne3A_67 = arith.constant 0 : i32
      %ne3A_68 = arith.cmpi ne, %rem3A_66, %ne3A_67 : i32
      %and3A_69 = arith.andi %ne3A_65, %ne3A_68 : i1
      %sub3A = arith.constant 1 : i32
      %sub3A_70 = arith.subi %div3A, %sub3A : i32
      %select_n3A_71 = arith.select %and3A_69, %sub3A_70, %div3A : i32
      %mul3A_72 = arith.constant 16 : i32
      %mul3A_73 = arith.muli %mul3A_72, %select_n3A_71 : i32
      %add3A_74 = arith.addi %select_n3A_50, %mul3A_73 : i32
      %mul3A_75 = arith.constant 128 : i32
      %mul3A_76 = arith.muli %mul3A_75, %add3A_74 : i32
      %dma_start3A = arith.constant 0 : i32
      %dma_start3A_77 = arith.constant 0 : i32
      %dma_start3A_78 = tpu.memref_slice %run_scoped3A[%rem3A_38, %dma_start3A, %dma_start3A_77] : memref<2x128x384xf32, #tpu.memory_space<vmem>> -> memref<1x128x384xf32, #tpu.memory_space<vmem>>
      %dma_start3A_79 = tpu.memref_squeeze %dma_start3A_78 : memref<1x128x384xf32, #tpu.memory_space<vmem>> -> memref<128x384xf32, #tpu.memory_space<vmem>>
      %dma_start3A_80 = arith.constant 0 : i32
      %dma_start3A_81 = tpu.memref_slice %arg2[%mul3A_76, %dma_start3A_80] : memref<4096x384xf32, #tpu.memory_space<hbm>> -> memref<128x384xf32, #tpu.memory_space<hbm>>
      %dma_start3A_82 = tpu.memref_slice %run_scoped3A_7[%rem3A_38] : memref<2x!tpu.dma_semaphore, #tpu.memory_space<semaphore_mem>> -> memref<1x!tpu.dma_semaphore, #tpu.memory_space<semaphore_mem>>
      %dma_start3A_83 = tpu.memref_squeeze %dma_start3A_82 : memref<1x!tpu.dma_semaphore, #tpu.memory_space<semaphore_mem>> -> memref<!tpu.dma_semaphore, #tpu.memory_space<semaphore_mem>>
      %dma_start3A_84 = arith.constant 0 : i32
      %dma_start3A_85 = arith.constant 0 : i32
      %dma_start3A_86 = tpu.memref_slice %run_scoped3A[%rem3A_38, %dma_start3A_84, %dma_start3A_85] : memref<2x128x384xf32, #tpu.memory_space<vmem>> -> memref<1x128x384xf32, #tpu.memory_space<vmem>>
      %dma_start3A_87 = tpu.memref_squeeze %dma_start3A_86 : memref<1x128x384xf32, #tpu.memory_space<vmem>> -> memref<128x384xf32, #tpu.memory_space<vmem>>
      %dma_start3A_88 = arith.constant 0 : i32
      %dma_start3A_89 = tpu.memref_slice %arg2[%mul3A_76, %dma_start3A_88] : memref<4096x384xf32, #tpu.memory_space<hbm>> -> memref<128x384xf32, #tpu.memory_space<hbm>>
      tpu.enqueue_dma source(%dma_start3A_89 : memref<128x384xf32, #tpu.memory_space<hbm>>) target(%dma_start3A_87 : memref<128x384xf32, #tpu.memory_space<vmem>>) target_semaphore(%dma_start3A_83 : memref<!tpu.dma_semaphore, #tpu.memory_space<semaphore_mem>>)
      %add3A_90 = arith.constant 0 : i32
      %add3A_91 = arith.constant 1 : i32
      %add3A_92 = arith.addi %add3A_90, %add3A_91 : i32
      %select_n3A_93 = arith.constant true
      %select_n3A_94 = arith.constant 0 : i32
      %select_n3A_95 = arith.select %select_n3A_93, %add3A_92, %select_n3A_94 : i32
      %rem3A_96 = arith.constant 0 : i32
      %rem3A_97 = arith.constant 2 : i32
      %rem3A_98 = arith.remui %rem3A_96, %rem3A_97 : i32
      %mul3A_99 = arith.constant 128 : i32
      %mul3A_100 = arith.muli %mul3A_99, %add3A_11 : i32
      %dma_start3A_101 = arith.constant 0 : i32
      %dma_start3A_102 = arith.constant 0 : i32
      %dma_start3A_103 = tpu.memref_slice %run_scoped3A_8[%rem3A_98, %dma_start3A_101, %dma_start3A_102] : memref<2x1x128xi32, #tpu.memory_space<vmem>> -> memref<1x1x128xi32, #tpu.memory_space<vmem>>
      %dma_start3A_104 = tpu.memref_squeeze %dma_start3A_103 : memref<1x1x128xi32, #tpu.memory_space<vmem>> -> memref<1x128xi32, #tpu.memory_space<vmem>>
      %dma_start3A_105 = arith.constant 0 : i32
      %dma_start3A_106 = tpu.memref_slice %arg3[%dma_start3A_105, %mul3A_100] : memref<1x8192xi32, #tpu.memory_space<hbm>> -> memref<1x128xi32, #tpu.memory_space<hbm>>
      %dma_start3A_107 = tpu.memref_slice %run_scoped3A_9[%rem3A_98] : memref<2x!tpu.dma_semaphore, #tpu.memory_space<semaphore_mem>> -> memref<1x!tpu.dma_semaphore, #tpu.memory_space<semaphore_mem>>
      %dma_start3A_108 = tpu.memref_squeeze %dma_start3A_107 : memref<1x!tpu.dma_semaphore, #tpu.memory_space<semaphore_mem>> -> memref<!tpu.dma_semaphore, #tpu.memory_space<semaphore_mem>>
      %dma_start3A_109 = arith.constant 0 : i32
      %dma_start3A_110 = arith.constant 0 : i32
      %dma_start3A_111 = tpu.memref_slice %run_scoped3A_8[%rem3A_98, %dma_start3A_109, %dma_start3A_110] : memref<2x1x128xi32, #tpu.memory_space<vmem>> -> memref<1x1x128xi32, #tpu.memory_space<vmem>>
      %dma_start3A_112 = tpu.memref_squeeze %dma_start3A_111 : memref<1x1x128xi32, #tpu.memory_space<vmem>> -> memref<1x128xi32, #tpu.memory_space<vmem>>
      %dma_start3A_113 = arith.constant 0 : i32
      %dma_start3A_114 = tpu.memref_slice %arg3[%dma_start3A_113, %mul3A_100] : memref<1x8192xi32, #tpu.memory_space<hbm>> -> memref<1x128xi32, #tpu.memory_space<hbm>>
      tpu.enqueue_dma source(%dma_start3A_114 : memref<1x128xi32, #tpu.memory_space<hbm>>) target(%dma_start3A_112 : memref<1x128xi32, #tpu.memory_space<vmem>>) target_semaphore(%dma_start3A_108 : memref<!tpu.dma_semaphore, #tpu.memory_space<semaphore_mem>>)
      %add3A_115 = arith.constant 0 : i32
      %add3A_116 = arith.constant 1 : i32
      %add3A_117 = arith.addi %add3A_115, %add3A_116 : i32
      %select_n3A_118 = arith.constant true
      %select_n3A_119 = arith.constant 0 : i32
      %select_n3A_120 = arith.select %select_n3A_118, %add3A_117, %select_n3A_119 : i32
      "tpu.trace_stop"() : () -> ()
      %scan3A = arith.constant 0 : i32
      %scan3A_121 = arith.constant 0 : i32
      %scan3A_122 = arith.constant 0 : i32
      %scan3A_123 = arith.constant 0 : i32
      %scan3A_124 = arith.constant 2 : i32
      %scan3A_125 = arith.addi %scan3A_123, %scan3A_124 : i32
      %scan3A_126 = arith.constant 1 : i32
      %scan3A_127:5 = scf.for %scan3A_165 = %scan3A_123 to %scan3A_125 step %scan3A_126 iter_args(%scan3A_166 = %select_n3A_95, %scan3A_167 = %scan3A, %scan3A_168 = %select_n3A_120, %scan3A_169 = %scan3A_121, %scan3A_170 = %scan3A_122) -> (i32, i32, i32, i32, i32)  : i32 {
        %eq3A_171 = arith.constant 0 : i32
        %eq3A_172 = arith.cmpi eq, %scan3A_165, %eq3A_171 : i32
        %eq3A_173 = arith.constant 1 : i32
        %eq3A_174 = arith.cmpi eq, %scan3A_165, %eq3A_173 : i32
        %add3A_175 = arith.addi %scan3A_170, %mul3A_6 : i32
        %sub3A_176 = arith.constant 1 : i32
        %sub3A_177 = arith.subi %scan3A_170, %sub3A_176 : i32
        %select_n3A_178 = arith.constant true
        %select_n3A_179 = arith.select %select_n3A_178, %sub3A_177, %scan3A_170 : i32
        %eq3A_180 = arith.constant -1 : i32
        %eq3A_181 = arith.cmpi eq, %select_n3A_179, %eq3A_180 : i32
        %select_n3A_182 = arith.constant 1 : i32
        %select_n3A_183 = arith.select %eq3A_181, %select_n3A_182, %select_n3A_179 : i32
        %add3A_184 = arith.addi %select_n3A_183, %mul3A_6 : i32
        %add3A_185 = arith.constant 1 : i32
        %add3A_186 = arith.addi %scan3A_170, %add3A_185 : i32
        %select_n3A_187 = arith.constant true
        %select_n3A_188 = arith.select %select_n3A_187, %add3A_186, %scan3A_170 : i32
        %eq3A_189 = arith.constant 2 : i32
        %eq3A_190 = arith.cmpi eq, %select_n3A_188, %eq3A_189 : i32
        %select_n3A_191 = arith.constant 0 : i32
        %select_n3A_192 = arith.select %eq3A_190, %select_n3A_191, %select_n3A_188 : i32
        %add3A_193 = arith.addi %select_n3A_192, %mul3A_6 : i32
        %add3A_194 = arith.constant 1 : i32
        %add3A_195 = arith.addi %select_n3A_192, %add3A_194 : i32
        %select_n3A_196 = arith.constant true
        %select_n3A_197 = arith.select %select_n3A_196, %add3A_195, %select_n3A_192 : i32
        %eq3A_198 = arith.constant 2 : i32
        %eq3A_199 = arith.cmpi eq, %select_n3A_197, %eq3A_198 : i32
        %select_n3A_200 = arith.constant 0 : i32
        %select_n3A_201 = arith.select %eq3A_199, %select_n3A_200, %select_n3A_197 : i32
        %add3A_202 = arith.addi %select_n3A_201, %mul3A_6 : i32
        %jit3A_203 = arith.constant 16 : i32
        %eq3A_204 = arith.constant 0 : i32
        %eq3A_205 = arith.cmpi eq, %jit3A_203, %eq3A_204 : i32
        %jit3A_206 = arith.constant 1 : i32
        %select_n3A_207 = arith.select %eq3A_205, %jit3A_206, %jit3A_203 : i32
        %rem3A_208 = arith.remsi %add3A_175, %select_n3A_207 : i32
        %ne3A_209 = arith.constant 0 : i32
        %ne3A_210 = arith.cmpi ne, %rem3A_208, %ne3A_209 : i32
        %lt3A_211 = arith.constant 0 : i32
        %lt3A_212 = arith.cmpi slt, %rem3A_208, %lt3A_211 : i32
        %lt3A_213 = arith.constant 0 : i32
        %lt3A_214 = arith.cmpi slt, %select_n3A_207, %lt3A_213 : i32
        %ne3A_215 = arith.xori %lt3A_212, %lt3A_214 : i1
        %and3A_216 = arith.andi %ne3A_215, %ne3A_210 : i1
        %add3A_217 = arith.addi %rem3A_208, %select_n3A_207 : i32
        %select_n3A_218 = arith.select %and3A_216, %add3A_217, %rem3A_208 : i32
        %jit3A_219 = arith.constant 32 : i32
        %div3A_220 = arith.divsi %add3A_175, %jit3A_219 : i32
        %sign3A_221 = arith.constant 0 : i32
        %sign3A_222 = arith.cmpi sgt, %add3A_175, %sign3A_221 : i32
        %sign3A_223 = arith.extui %sign3A_222 : i1 to i32
        %sign3A_224 = arith.constant 0 : i32
        %sign3A_225 = arith.cmpi slt, %add3A_175, %sign3A_224 : i32
        %sign3A_226 = arith.extui %sign3A_225 : i1 to i32
        %sign3A_227 = arith.subi %sign3A_223, %sign3A_226 : i32
        %sign3A_228 = arith.constant 0 : i32
        %sign3A_229 = arith.cmpi sgt, %jit3A_219, %sign3A_228 : i32
        %sign3A_230 = arith.extui %sign3A_229 : i1 to i32
        %sign3A_231 = arith.constant 0 : i32
        %sign3A_232 = arith.cmpi slt, %jit3A_219, %sign3A_231 : i32
        %sign3A_233 = arith.extui %sign3A_232 : i1 to i32
        %sign3A_234 = arith.subi %sign3A_230, %sign3A_233 : i32
        %ne3A_235 = arith.cmpi ne, %sign3A_227, %sign3A_234 : i32
        %rem3A_236 = arith.remsi %add3A_175, %jit3A_219 : i32
        %ne3A_237 = arith.constant 0 : i32
        %ne3A_238 = arith.cmpi ne, %rem3A_236, %ne3A_237 : i32
        %and3A_239 = arith.andi %ne3A_235, %ne3A_238 : i1
        %sub3A_240 = arith.constant 1 : i32
        %sub3A_241 = arith.subi %div3A_220, %sub3A_240 : i32
        %select_n3A_242 = arith.select %and3A_239, %sub3A_241, %div3A_220 : i32
        %mul3A_243 = arith.constant 16 : i32
        %mul3A_244 = arith.muli %mul3A_243, %select_n3A_242 : i32
        %add3A_245 = arith.addi %select_n3A_218, %mul3A_244 : i32
        %jit3A_246 = arith.constant 16 : i32
        %eq3A_247 = arith.constant 0 : i32
        %eq3A_248 = arith.cmpi eq, %jit3A_246, %eq3A_247 : i32
        %jit3A_249 = arith.constant 1 : i32
        %select_n3A_250 = arith.select %eq3A_248, %jit3A_249, %jit3A_246 : i32
        %rem3A_251 = arith.remsi %add3A_193, %select_n3A_250 : i32
        %ne3A_252 = arith.constant 0 : i32
        %ne3A_253 = arith.cmpi ne, %rem3A_251, %ne3A_252 : i32
        %lt3A_254 = arith.constant 0 : i32
        %lt3A_255 = arith.cmpi slt, %rem3A_251, %lt3A_254 : i32
        %lt3A_256 = arith.constant 0 : i32
        %lt3A_257 = arith.cmpi slt, %select_n3A_250, %lt3A_256 : i32
        %ne3A_258 = arith.xori %lt3A_255, %lt3A_257 : i1
        %and3A_259 = arith.andi %ne3A_258, %ne3A_253 : i1
        %add3A_260 = arith.addi %rem3A_251, %select_n3A_250 : i32
        %select_n3A_261 = arith.select %and3A_259, %add3A_260, %rem3A_251 : i32
        %jit3A_262 = arith.constant 32 : i32
        %div3A_263 = arith.divsi %add3A_193, %jit3A_262 : i32
        %sign3A_264 = arith.constant 0 : i32
        %sign3A_265 = arith.cmpi sgt, %add3A_193, %sign3A_264 : i32
        %sign3A_266 = arith.extui %sign3A_265 : i1 to i32
        %sign3A_267 = arith.constant 0 : i32
        %sign3A_268 = arith.cmpi slt, %add3A_193, %sign3A_267 : i32
        %sign3A_269 = arith.extui %sign3A_268 : i1 to i32
        %sign3A_270 = arith.subi %sign3A_266, %sign3A_269 : i32
        %sign3A_271 = arith.constant 0 : i32
        %sign3A_272 = arith.cmpi sgt, %jit3A_262, %sign3A_271 : i32
        %sign3A_273 = arith.extui %sign3A_272 : i1 to i32
        %sign3A_274 = arith.constant 0 : i32
        %sign3A_275 = arith.cmpi slt, %jit3A_262, %sign3A_274 : i32
        %sign3A_276 = arith.extui %sign3A_275 : i1 to i32
        %sign3A_277 = arith.subi %sign3A_273, %sign3A_276 : i32
        %ne3A_278 = arith.cmpi ne, %sign3A_270, %sign3A_277 : i32
        %rem3A_279 = arith.remsi %add3A_193, %jit3A_262 : i32
        %ne3A_280 = arith.constant 0 : i32
        %ne3A_281 = arith.cmpi ne, %rem3A_279, %ne3A_280 : i32
        %and3A_282 = arith.andi %ne3A_278, %ne3A_281 : i1
        %sub3A_283 = arith.constant 1 : i32
        %sub3A_284 = arith.subi %div3A_263, %sub3A_283 : i32
        %select_n3A_285 = arith.select %and3A_282, %sub3A_284, %div3A_263 : i32
        %mul3A_286 = arith.constant 16 : i32
        %mul3A_287 = arith.muli %mul3A_286, %select_n3A_285 : i32
        %add3A_288 = arith.addi %select_n3A_261, %mul3A_287 : i32
        %ne3A_289 = arith.cmpi ne, %add3A_245, %add3A_288 : i32
        %or3A = arith.constant false
        %or3A_290 = arith.ori %or3A, %ne3A_289 : i1
        %or3A_291 = arith.constant false
        %or3A_292 = arith.ori %or3A_290, %or3A_291 : i1
        %ge3A = arith.constant 1 : i32
        %ge3A_293 = arith.cmpi sge, %scan3A_165, %ge3A : i32
        %not3A = arith.constant true
        %not3A_294 = arith.xori %ge3A_293, %not3A : i1
        %and3A_295 = arith.andi %or3A_292, %not3A_294 : i1
        %convert_element_type3A = arith.extui %and3A_295 : i1 to i32
        %cond3A = arith.constant 0 : i32
        %cond3A_296 = arith.cmpi ne, %convert_element_type3A, %cond3A : i32
        scf.if %cond3A_296 {
          "tpu.trace_start"() <{level = 10 : i32, message = "ep_copy_in"}> : () -> ()
          %rem3A_751 = arith.constant 2 : i32
          %rem3A_752 = arith.remui %scan3A_166, %rem3A_751 : i32
          %jit3A_753 = arith.constant 16 : i32
          %eq3A_754 = arith.constant 0 : i32
          %eq3A_755 = arith.cmpi eq, %jit3A_753, %eq3A_754 : i32
          %jit3A_756 = arith.constant 1 : i32
          %select_n3A_757 = arith.select %eq3A_755, %jit3A_756, %jit3A_753 : i32
          %rem3A_758 = arith.remsi %add3A_193, %select_n3A_757 : i32
          %ne3A_759 = arith.constant 0 : i32
          %ne3A_760 = arith.cmpi ne, %rem3A_758, %ne3A_759 : i32
          %lt3A_761 = arith.constant 0 : i32
          %lt3A_762 = arith.cmpi slt, %rem3A_758, %lt3A_761 : i32
          %lt3A_763 = arith.constant 0 : i32
          %lt3A_764 = arith.cmpi slt, %select_n3A_757, %lt3A_763 : i32
          %ne3A_765 = arith.xori %lt3A_762, %lt3A_764 : i1
          %and3A_766 = arith.andi %ne3A_765, %ne3A_760 : i1
          %add3A_767 = arith.addi %rem3A_758, %select_n3A_757 : i32
          %select_n3A_768 = arith.select %and3A_766, %add3A_767, %rem3A_758 : i32
          %jit3A_769 = arith.constant 32 : i32
          %div3A_770 = arith.divsi %add3A_193, %jit3A_769 : i32
          %sign3A_771 = arith.constant 0 : i32
          %sign3A_772 = arith.cmpi sgt, %add3A_193, %sign3A_771 : i32
          %sign3A_773 = arith.extui %sign3A_772 : i1 to i32
          %sign3A_774 = arith.constant 0 : i32
          %sign3A_775 = arith.cmpi slt, %add3A_193, %sign3A_774 : i32
          %sign3A_776 = arith.extui %sign3A_775 : i1 to i32
          %sign3A_777 = arith.subi %sign3A_773, %sign3A_776 : i32
          %sign3A_778 = arith.constant 0 : i32
          %sign3A_779 = arith.cmpi sgt, %jit3A_769, %sign3A_778 : i32
          %sign3A_780 = arith.extui %sign3A_779 : i1 to i32
          %sign3A_781 = arith.constant 0 : i32
          %sign3A_782 = arith.cmpi slt, %jit3A_769, %sign3A_781 : i32
          %sign3A_783 = arith.extui %sign3A_782 : i1 to i32
          %sign3A_784 = arith.subi %sign3A_780, %sign3A_783 : i32
          %ne3A_785 = arith.cmpi ne, %sign3A_777, %sign3A_784 : i32
          %rem3A_786 = arith.remsi %add3A_193, %jit3A_769 : i32
          %ne3A_787 = arith.constant 0 : i32
          %ne3A_788 = arith.cmpi ne, %rem3A_786, %ne3A_787 : i32
          %and3A_789 = arith.andi %ne3A_785, %ne3A_788 : i1
          %sub3A_790 = arith.constant 1 : i32
          %sub3A_791 = arith.subi %div3A_770, %sub3A_790 : i32
          %select_n3A_792 = arith.select %and3A_789, %sub3A_791, %div3A_770 : i32
          %mul3A_793 = arith.constant 16 : i32
          %mul3A_794 = arith.muli %mul3A_793, %select_n3A_792 : i32
          %add3A_795 = arith.addi %select_n3A_768, %mul3A_794 : i32
          %mul3A_796 = arith.constant 128 : i32
          %mul3A_797 = arith.muli %mul3A_796, %add3A_795 : i32
          %dma_start3A_798 = arith.constant 0 : i32
          %dma_start3A_799 = arith.constant 0 : i32
          %dma_start3A_800 = tpu.memref_slice %run_scoped3A[%rem3A_752, %dma_start3A_798, %dma_start3A_799] : memref<2x128x384xf32, #tpu.memory_space<vmem>> -> memref<1x128x384xf32, #tpu.memory_space<vmem>>
          %dma_start3A_801 = tpu.memref_squeeze %dma_start3A_800 : memref<1x128x384xf32, #tpu.memory_space<vmem>> -> memref<128x384xf32, #tpu.memory_space<vmem>>
          %dma_start3A_802 = arith.constant 0 : i32
          %dma_start3A_803 = tpu.memref_slice %arg2[%mul3A_797, %dma_start3A_802] : memref<4096x384xf32, #tpu.memory_space<hbm>> -> memref<128x384xf32, #tpu.memory_space<hbm>>
          %dma_start3A_804 = tpu.memref_slice %run_scoped3A_7[%rem3A_752] : memref<2x!tpu.dma_semaphore, #tpu.memory_space<semaphore_mem>> -> memref<1x!tpu.dma_semaphore, #tpu.memory_space<semaphore_mem>>
          %dma_start3A_805 = tpu.memref_squeeze %dma_start3A_804 : memref<1x!tpu.dma_semaphore, #tpu.memory_space<semaphore_mem>> -> memref<!tpu.dma_semaphore, #tpu.memory_space<semaphore_mem>>
          %dma_start3A_806 = arith.constant 0 : i32
          %dma_start3A_807 = arith.constant 0 : i32
          %dma_start3A_808 = tpu.memref_slice %run_scoped3A[%rem3A_752, %dma_start3A_806, %dma_start3A_807] : memref<2x128x384xf32, #tpu.memory_space<vmem>> -> memref<1x128x384xf32, #tpu.memory_space<vmem>>
          %dma_start3A_809 = tpu.memref_squeeze %dma_start3A_808 : memref<1x128x384xf32, #tpu.memory_space<vmem>> -> memref<128x384xf32, #tpu.memory_space<vmem>>
          %dma_start3A_810 = arith.constant 0 : i32
          %dma_start3A_811 = tpu.memref_slice %arg2[%mul3A_797, %dma_start3A_810] : memref<4096x384xf32, #tpu.memory_space<hbm>> -> memref<128x384xf32, #tpu.memory_space<hbm>>
          tpu.enqueue_dma source(%dma_start3A_811 : memref<128x384xf32, #tpu.memory_space<hbm>>) target(%dma_start3A_809 : memref<128x384xf32, #tpu.memory_space<vmem>>) target_semaphore(%dma_start3A_805 : memref<!tpu.dma_semaphore, #tpu.memory_space<semaphore_mem>>)
          "tpu.trace_stop"() : () -> ()
        } else {
        }
        %and3A_297 = arith.constant true
        %and3A_298 = arith.andi %and3A_295, %and3A_297 : i1
        %add3A_299 = arith.constant 1 : i32
        %add3A_300 = arith.addi %scan3A_166, %add3A_299 : i32
        %select_n3A_301 = arith.select %and3A_298, %add3A_300, %scan3A_166 : i32
        %ne3A_302 = arith.cmpi ne, %add3A_175, %add3A_193 : i32
        %or3A_303 = arith.constant false
        %or3A_304 = arith.ori %or3A_303, %ne3A_302 : i1
        %ge3A_305 = arith.constant 1 : i32
        %ge3A_306 = arith.cmpi sge, %scan3A_165, %ge3A_305 : i32
        %not3A_307 = arith.constant true
        %not3A_308 = arith.xori %ge3A_306, %not3A_307 : i1
        %and3A_309 = arith.andi %or3A_304, %not3A_308 : i1
        %convert_element_type3A_310 = arith.extui %and3A_309 : i1 to i32
        %cond3A_311 = arith.constant 0 : i32
        %cond3A_312 = arith.cmpi ne, %convert_element_type3A_310, %cond3A_311 : i32
        scf.if %cond3A_312 {
          "tpu.trace_start"() <{level = 10 : i32, message = "ep_copy_in"}> : () -> ()
          %rem3A_751 = arith.constant 2 : i32
          %rem3A_752 = arith.remui %scan3A_168, %rem3A_751 : i32
          %mul3A_753 = arith.constant 128 : i32
          %mul3A_754 = arith.muli %mul3A_753, %add3A_193 : i32
          %dma_start3A_755 = arith.constant 0 : i32
          %dma_start3A_756 = arith.constant 0 : i32
          %dma_start3A_757 = tpu.memref_slice %run_scoped3A_8[%rem3A_752, %dma_start3A_755, %dma_start3A_756] : memref<2x1x128xi32, #tpu.memory_space<vmem>> -> memref<1x1x128xi32, #tpu.memory_space<vmem>>
          %dma_start3A_758 = tpu.memref_squeeze %dma_start3A_757 : memref<1x1x128xi32, #tpu.memory_space<vmem>> -> memref<1x128xi32, #tpu.memory_space<vmem>>
          %dma_start3A_759 = arith.constant 0 : i32
          %dma_start3A_760 = tpu.memref_slice %arg3[%dma_start3A_759, %mul3A_754] : memref<1x8192xi32, #tpu.memory_space<hbm>> -> memref<1x128xi32, #tpu.memory_space<hbm>>
          %dma_start3A_761 = tpu.memref_slice %run_scoped3A_9[%rem3A_752] : memref<2x!tpu.dma_semaphore, #tpu.memory_space<semaphore_mem>> -> memref<1x!tpu.dma_semaphore, #tpu.memory_space<semaphore_mem>>
          %dma_start3A_762 = tpu.memref_squeeze %dma_start3A_761 : memref<1x!tpu.dma_semaphore, #tpu.memory_space<semaphore_mem>> -> memref<!tpu.dma_semaphore, #tpu.memory_space<semaphore_mem>>
          %dma_start3A_763 = arith.constant 0 : i32
          %dma_start3A_764 = arith.constant 0 : i32
          %dma_start3A_765 = tpu.memref_slice %run_scoped3A_8[%rem3A_752, %dma_start3A_763, %dma_start3A_764] : memref<2x1x128xi32, #tpu.memory_space<vmem>> -> memref<1x1x128xi32, #tpu.memory_space<vmem>>
          %dma_start3A_766 = tpu.memref_squeeze %dma_start3A_765 : memref<1x1x128xi32, #tpu.memory_space<vmem>> -> memref<1x128xi32, #tpu.memory_space<vmem>>
          %dma_start3A_767 = arith.constant 0 : i32
          %dma_start3A_768 = tpu.memref_slice %arg3[%dma_start3A_767, %mul3A_754] : memref<1x8192xi32, #tpu.memory_space<hbm>> -> memref<1x128xi32, #tpu.memory_space<hbm>>
          tpu.enqueue_dma source(%dma_start3A_768 : memref<1x128xi32, #tpu.memory_space<hbm>>) target(%dma_start3A_766 : memref<1x128xi32, #tpu.memory_space<vmem>>) target_semaphore(%dma_start3A_762 : memref<!tpu.dma_semaphore, #tpu.memory_space<semaphore_mem>>)
          "tpu.trace_stop"() : () -> ()
        } else {
        }
        %and3A_313 = arith.constant true
        %and3A_314 = arith.andi %and3A_309, %and3A_313 : i1
        %add3A_315 = arith.constant 1 : i32
        %add3A_316 = arith.addi %scan3A_168, %add3A_315 : i32
        %select_n3A_317 = arith.select %and3A_314, %add3A_316, %scan3A_168 : i32
        %jit3A_318 = arith.constant 16 : i32
        %eq3A_319 = arith.constant 0 : i32
        %eq3A_320 = arith.cmpi eq, %jit3A_318, %eq3A_319 : i32
        %jit3A_321 = arith.constant 1 : i32
        %select_n3A_322 = arith.select %eq3A_320, %jit3A_321, %jit3A_318 : i32
        %rem3A_323 = arith.remsi %add3A_175, %select_n3A_322 : i32
        %ne3A_324 = arith.constant 0 : i32
        %ne3A_325 = arith.cmpi ne, %rem3A_323, %ne3A_324 : i32
        %lt3A_326 = arith.constant 0 : i32
        %lt3A_327 = arith.cmpi slt, %rem3A_323, %lt3A_326 : i32
        %lt3A_328 = arith.constant 0 : i32
        %lt3A_329 = arith.cmpi slt, %select_n3A_322, %lt3A_328 : i32
        %ne3A_330 = arith.xori %lt3A_327, %lt3A_329 : i1
        %and3A_331 = arith.andi %ne3A_330, %ne3A_325 : i1
        %add3A_332 = arith.addi %rem3A_323, %select_n3A_322 : i32
        %select_n3A_333 = arith.select %and3A_331, %add3A_332, %rem3A_323 : i32
        %jit3A_334 = arith.constant 32 : i32
        %div3A_335 = arith.divsi %add3A_175, %jit3A_334 : i32
        %sign3A_336 = arith.constant 0 : i32
        %sign3A_337 = arith.cmpi sgt, %add3A_175, %sign3A_336 : i32
        %sign3A_338 = arith.extui %sign3A_337 : i1 to i32
        %sign3A_339 = arith.constant 0 : i32
        %sign3A_340 = arith.cmpi slt, %add3A_175, %sign3A_339 : i32
        %sign3A_341 = arith.extui %sign3A_340 : i1 to i32
        %sign3A_342 = arith.subi %sign3A_338, %sign3A_341 : i32
        %sign3A_343 = arith.constant 0 : i32
        %sign3A_344 = arith.cmpi sgt, %jit3A_334, %sign3A_343 : i32
        %sign3A_345 = arith.extui %sign3A_344 : i1 to i32
        %sign3A_346 = arith.constant 0 : i32
        %sign3A_347 = arith.cmpi slt, %jit3A_334, %sign3A_346 : i32
        %sign3A_348 = arith.extui %sign3A_347 : i1 to i32
        %sign3A_349 = arith.subi %sign3A_345, %sign3A_348 : i32
        %ne3A_350 = arith.cmpi ne, %sign3A_342, %sign3A_349 : i32
        %rem3A_351 = arith.remsi %add3A_175, %jit3A_334 : i32
        %ne3A_352 = arith.constant 0 : i32
        %ne3A_353 = arith.cmpi ne, %rem3A_351, %ne3A_352 : i32
        %and3A_354 = arith.andi %ne3A_350, %ne3A_353 : i1
        %sub3A_355 = arith.constant 1 : i32
        %sub3A_356 = arith.subi %div3A_335, %sub3A_355 : i32
        %select_n3A_357 = arith.select %and3A_354, %sub3A_356, %div3A_335 : i32
        %mul3A_358 = arith.constant 16 : i32
        %mul3A_359 = arith.muli %mul3A_358, %select_n3A_357 : i32
        %add3A_360 = arith.addi %select_n3A_333, %mul3A_359 : i32
        %jit3A_361 = arith.constant 16 : i32
        %eq3A_362 = arith.constant 0 : i32
        %eq3A_363 = arith.cmpi eq, %jit3A_361, %eq3A_362 : i32
        %jit3A_364 = arith.constant 1 : i32
        %select_n3A_365 = arith.select %eq3A_363, %jit3A_364, %jit3A_361 : i32
        %rem3A_366 = arith.remsi %add3A_184, %select_n3A_365 : i32
        %ne3A_367 = arith.constant 0 : i32
        %ne3A_368 = arith.cmpi ne, %rem3A_366, %ne3A_367 : i32
        %lt3A_369 = arith.constant 0 : i32
        %lt3A_370 = arith.cmpi slt, %rem3A_366, %lt3A_369 : i32
        %lt3A_371 = arith.constant 0 : i32
        %lt3A_372 = arith.cmpi slt, %select_n3A_365, %lt3A_371 : i32
        %ne3A_373 = arith.xori %lt3A_370, %lt3A_372 : i1
        %and3A_374 = arith.andi %ne3A_373, %ne3A_368 : i1
        %add3A_375 = arith.addi %rem3A_366, %select_n3A_365 : i32
        %select_n3A_376 = arith.select %and3A_374, %add3A_375, %rem3A_366 : i32
        %jit3A_377 = arith.constant 32 : i32
        %div3A_378 = arith.divsi %add3A_184, %jit3A_377 : i32
        %sign3A_379 = arith.constant 0 : i32
        %sign3A_380 = arith.cmpi sgt, %add3A_184, %sign3A_379 : i32
        %sign3A_381 = arith.extui %sign3A_380 : i1 to i32
        %sign3A_382 = arith.constant 0 : i32
        %sign3A_383 = arith.cmpi slt, %add3A_184, %sign3A_382 : i32
        %sign3A_384 = arith.extui %sign3A_383 : i1 to i32
        %sign3A_385 = arith.subi %sign3A_381, %sign3A_384 : i32
        %sign3A_386 = arith.constant 0 : i32
        %sign3A_387 = arith.cmpi sgt, %jit3A_377, %sign3A_386 : i32
        %sign3A_388 = arith.extui %sign3A_387 : i1 to i32
        %sign3A_389 = arith.constant 0 : i32
        %sign3A_390 = arith.cmpi slt, %jit3A_377, %sign3A_389 : i32
        %sign3A_391 = arith.extui %sign3A_390 : i1 to i32
        %sign3A_392 = arith.subi %sign3A_388, %sign3A_391 : i32
        %ne3A_393 = arith.cmpi ne, %sign3A_385, %sign3A_392 : i32
        %rem3A_394 = arith.remsi %add3A_184, %jit3A_377 : i32
        %ne3A_395 = arith.constant 0 : i32
        %ne3A_396 = arith.cmpi ne, %rem3A_394, %ne3A_395 : i32
        %and3A_397 = arith.andi %ne3A_393, %ne3A_396 : i1
        %sub3A_398 = arith.constant 1 : i32
        %sub3A_399 = arith.subi %div3A_378, %sub3A_398 : i32
        %select_n3A_400 = arith.select %and3A_397, %sub3A_399, %div3A_378 : i32
        %mul3A_401 = arith.constant 16 : i32
        %mul3A_402 = arith.muli %mul3A_401, %select_n3A_400 : i32
        %add3A_403 = arith.addi %select_n3A_376, %mul3A_402 : i32
        %ne3A_404 = arith.cmpi ne, %add3A_360, %add3A_403 : i32
        %or3A_405 = arith.constant false
        %or3A_406 = arith.ori %or3A_405, %ne3A_404 : i1
        %or3A_407 = arith.constant false
        %or3A_408 = arith.ori %or3A_406, %or3A_407 : i1
        %or3A_409 = arith.ori %or3A_408, %eq3A_172 : i1
        %convert_element_type3A_410 = arith.extui %or3A_409 : i1 to i32
        %cond3A_411 = arith.constant 0 : i32
        %cond3A_412 = arith.cmpi ne, %convert_element_type3A_410, %cond3A_411 : i32
        scf.if %cond3A_412 {
          %jit3A_751 = arith.constant 16 : i32
          "tpu.trace_start"() <{level = 10 : i32, message = "ep_wait_in"}> : () -> ()
          %eq3A_752 = arith.constant 0 : i32
          %eq3A_753 = arith.cmpi eq, %jit3A_751, %eq3A_752 : i32
          %jit3A_754 = arith.constant 1 : i32
          %select_n3A_755 = arith.select %eq3A_753, %jit3A_754, %jit3A_751 : i32
          %rem3A_756 = arith.remsi %add3A_175, %select_n3A_755 : i32
          %ne3A_757 = arith.constant 0 : i32
          %ne3A_758 = arith.cmpi ne, %rem3A_756, %ne3A_757 : i32
          %lt3A_759 = arith.constant 0 : i32
          %lt3A_760 = arith.cmpi slt, %rem3A_756, %lt3A_759 : i32
          %lt3A_761 = arith.constant 0 : i32
          %lt3A_762 = arith.cmpi slt, %select_n3A_755, %lt3A_761 : i32
          %ne3A_763 = arith.xori %lt3A_760, %lt3A_762 : i1
          %and3A_764 = arith.andi %ne3A_763, %ne3A_758 : i1
          %add3A_765 = arith.addi %rem3A_756, %select_n3A_755 : i32
          %select_n3A_766 = arith.select %and3A_764, %add3A_765, %rem3A_756 : i32
          %jit3A_767 = arith.constant 32 : i32
          %div3A_768 = arith.divsi %add3A_175, %jit3A_767 : i32
          %sign3A_769 = arith.constant 0 : i32
          %sign3A_770 = arith.cmpi sgt, %add3A_175, %sign3A_769 : i32
          %sign3A_771 = arith.extui %sign3A_770 : i1 to i32
          %sign3A_772 = arith.constant 0 : i32
          %sign3A_773 = arith.cmpi slt, %add3A_175, %sign3A_772 : i32
          %sign3A_774 = arith.extui %sign3A_773 : i1 to i32
          %sign3A_775 = arith.subi %sign3A_771, %sign3A_774 : i32
          %sign3A_776 = arith.constant 0 : i32
          %sign3A_777 = arith.cmpi sgt, %jit3A_767, %sign3A_776 : i32
          %sign3A_778 = arith.extui %sign3A_777 : i1 to i32
          %sign3A_779 = arith.constant 0 : i32
          %sign3A_780 = arith.cmpi slt, %jit3A_767, %sign3A_779 : i32
          %sign3A_781 = arith.extui %sign3A_780 : i1 to i32
          %sign3A_782 = arith.subi %sign3A_778, %sign3A_781 : i32
          %ne3A_783 = arith.cmpi ne, %sign3A_775, %sign3A_782 : i32
          %rem3A_784 = arith.remsi %add3A_175, %jit3A_767 : i32
          %ne3A_785 = arith.constant 0 : i32
          %ne3A_786 = arith.cmpi ne, %rem3A_784, %ne3A_785 : i32
          %and3A_787 = arith.andi %ne3A_783, %ne3A_786 : i1
          %sub3A_788 = arith.constant 1 : i32
          %sub3A_789 = arith.subi %div3A_768, %sub3A_788 : i32
          %select_n3A_790 = arith.select %and3A_787, %sub3A_789, %div3A_768 : i32
          %mul3A_791 = arith.constant 16 : i32
          %mul3A_792 = arith.muli %mul3A_791, %select_n3A_790 : i32
          %add3A_793 = arith.addi %select_n3A_766, %mul3A_792 : i32
          %mul3A_794 = arith.constant 128 : i32
          %mul3A_795 = arith.muli %mul3A_794, %add3A_793 : i32
          %rem3A_796 = arith.constant 2 : i32
          %rem3A_797 = arith.remui %scan3A_167, %rem3A_796 : i32
          %dma_wait3A = arith.constant 0 : i32
          %dma_wait3A_798 = arith.constant 0 : i32
          %dma_wait3A_799 = tpu.memref_slice %run_scoped3A[%rem3A_797, %dma_wait3A, %dma_wait3A_798] : memref<2x128x384xf32, #tpu.memory_space<vmem>> -> memref<1x128x384xf32, #tpu.memory_space<vmem>>
          %dma_wait3A_800 = tpu.memref_squeeze %dma_wait3A_799 : memref<1x128x384xf32, #tpu.memory_space<vmem>> -> memref<128x384xf32, #tpu.memory_space<vmem>>
          %dma_wait3A_801 = arith.constant 0 : i32
          %dma_wait3A_802 = tpu.memref_slice %arg2[%mul3A_795, %dma_wait3A_801] : memref<4096x384xf32, #tpu.memory_space<hbm>> -> memref<128x384xf32, #tpu.memory_space<hbm>>
          %dma_wait3A_803 = tpu.memref_slice %run_scoped3A_7[%rem3A_797] : memref<2x!tpu.dma_semaphore, #tpu.memory_space<semaphore_mem>> -> memref<1x!tpu.dma_semaphore, #tpu.memory_space<semaphore_mem>>
          %dma_wait3A_804 = tpu.memref_squeeze %dma_wait3A_803 : memref<1x!tpu.dma_semaphore, #tpu.memory_space<semaphore_mem>> -> memref<!tpu.dma_semaphore, #tpu.memory_space<semaphore_mem>>
          %dma_wait3A_805 = arith.constant 0 : i32
          %dma_wait3A_806 = arith.constant 0 : i32
          %dma_wait3A_807 = tpu.memref_slice %run_scoped3A[%rem3A_797, %dma_wait3A_805, %dma_wait3A_806] : memref<2x128x384xf32, #tpu.memory_space<vmem>> -> memref<1x128x384xf32, #tpu.memory_space<vmem>>
          %dma_wait3A_808 = tpu.memref_squeeze %dma_wait3A_807 : memref<1x128x384xf32, #tpu.memory_space<vmem>> -> memref<128x384xf32, #tpu.memory_space<vmem>>
          %dma_wait3A_809 = arith.constant 0 : i32
          %dma_wait3A_810 = tpu.memref_slice %arg2[%mul3A_795, %dma_wait3A_809] : memref<4096x384xf32, #tpu.memory_space<hbm>> -> memref<128x384xf32, #tpu.memory_space<hbm>>
          tpu.wait_dma2 semaphore(%dma_wait3A_804 : memref<!tpu.dma_semaphore, #tpu.memory_space<semaphore_mem>>) src(%dma_wait3A_810 : memref<128x384xf32, #tpu.memory_space<hbm>>) dst(%dma_wait3A_808 : memref<128x384xf32, #tpu.memory_space<vmem>>)
          "tpu.trace_stop"() : () -> ()
        } else {
        }
        %ne3A_413 = arith.cmpi ne, %add3A_175, %add3A_184 : i32
        %or3A_414 = arith.constant false
        %or3A_415 = arith.ori %or3A_414, %ne3A_413 : i1
        %or3A_416 = arith.ori %or3A_415, %eq3A_172 : i1
        %convert_element_type3A_417 = arith.extui %or3A_416 : i1 to i32
        %cond3A_418 = arith.constant 0 : i32
        %cond3A_419 = arith.cmpi ne, %convert_element_type3A_417, %cond3A_418 : i32
        scf.if %cond3A_419 {
          "tpu.trace_start"() <{level = 10 : i32, message = "ep_wait_in"}> : () -> ()
          %mul3A_751 = arith.constant 128 : i32
          %mul3A_752 = arith.muli %mul3A_751, %add3A_175 : i32
          %rem3A_753 = arith.constant 2 : i32
          %rem3A_754 = arith.remui %scan3A_169, %rem3A_753 : i32
          %dma_wait3A = arith.constant 0 : i32
          %dma_wait3A_755 = arith.constant 0 : i32
          %dma_wait3A_756 = tpu.memref_slice %run_scoped3A_8[%rem3A_754, %dma_wait3A, %dma_wait3A_755] : memref<2x1x128xi32, #tpu.memory_space<vmem>> -> memref<1x1x128xi32, #tpu.memory_space<vmem>>
          %dma_wait3A_757 = tpu.memref_squeeze %dma_wait3A_756 : memref<1x1x128xi32, #tpu.memory_space<vmem>> -> memref<1x128xi32, #tpu.memory_space<vmem>>
          %dma_wait3A_758 = arith.constant 0 : i32
          %dma_wait3A_759 = tpu.memref_slice %arg3[%dma_wait3A_758, %mul3A_752] : memref<1x8192xi32, #tpu.memory_space<hbm>> -> memref<1x128xi32, #tpu.memory_space<hbm>>
          %dma_wait3A_760 = tpu.memref_slice %run_scoped3A_9[%rem3A_754] : memref<2x!tpu.dma_semaphore, #tpu.memory_space<semaphore_mem>> -> memref<1x!tpu.dma_semaphore, #tpu.memory_space<semaphore_mem>>
          %dma_wait3A_761 = tpu.memref_squeeze %dma_wait3A_760 : memref<1x!tpu.dma_semaphore, #tpu.memory_space<semaphore_mem>> -> memref<!tpu.dma_semaphore, #tpu.memory_space<semaphore_mem>>
          %dma_wait3A_762 = arith.constant 0 : i32
          %dma_wait3A_763 = arith.constant 0 : i32
          %dma_wait3A_764 = tpu.memref_slice %run_scoped3A_8[%rem3A_754, %dma_wait3A_762, %dma_wait3A_763] : memref<2x1x128xi32, #tpu.memory_space<vmem>> -> memref<1x1x128xi32, #tpu.memory_space<vmem>>
          %dma_wait3A_765 = tpu.memref_squeeze %dma_wait3A_764 : memref<1x1x128xi32, #tpu.memory_space<vmem>> -> memref<1x128xi32, #tpu.memory_space<vmem>>
          %dma_wait3A_766 = arith.constant 0 : i32
          %dma_wait3A_767 = tpu.memref_slice %arg3[%dma_wait3A_766, %mul3A_752] : memref<1x8192xi32, #tpu.memory_space<hbm>> -> memref<1x128xi32, #tpu.memory_space<hbm>>
          tpu.wait_dma2 semaphore(%dma_wait3A_761 : memref<!tpu.dma_semaphore, #tpu.memory_space<semaphore_mem>>) src(%dma_wait3A_767 : memref<1x128xi32, #tpu.memory_space<hbm>>) dst(%dma_wait3A_765 : memref<1x128xi32, #tpu.memory_space<vmem>>)
          "tpu.trace_stop"() : () -> ()
        } else {
        }
        %rem3A_420 = arith.constant 2 : i32
        %rem3A_421 = arith.remui %scan3A_167, %rem3A_420 : i32
        %rem3A_422 = arith.constant 2 : i32
        %rem3A_423 = arith.remui %scan3A_169, %rem3A_422 : i32
        %run_scoped3A_424 = arith.constant 0 : i32
        "tpu.trace_start"() <{level = 10 : i32, message = "ep_run_kernel"}> : () -> ()
        "tpu.region"() ({
          %run_scoped3A_751 = tpu.sem_alloc : memref<!tpu.dma_semaphore, #tpu.memory_space<semaphore_mem>>
          %dma_start3A_752 = arith.constant 0 : i32
          %dma_start3A_753 = arith.constant 0 : i32
          %dma_start3A_754 = tpu.memref_slice %run_scoped3A[%rem3A_421, %dma_start3A_752, %dma_start3A_753] : memref<2x128x384xf32, #tpu.memory_space<vmem>> -> memref<1x128x384xf32, #tpu.memory_space<vmem>>
          %dma_start3A_755 = tpu.memref_squeeze %dma_start3A_754 : memref<1x128x384xf32, #tpu.memory_space<vmem>> -> memref<128x384xf32, #tpu.memory_space<vmem>>
          %dma_start3A_756 = arith.constant 0 : i32
          %dma_start3A_757 = arith.constant 0 : i32
          %dma_start3A_758 = tpu.memref_slice %run_scoped3A_8[%rem3A_423, %dma_start3A_756, %dma_start3A_757] : memref<2x1x128xi32, #tpu.memory_space<vmem>> -> memref<1x1x128xi32, #tpu.memory_space<vmem>>
          %dma_start3A_759 = tpu.memref_squeeze %dma_start3A_758 : memref<1x1x128xi32, #tpu.memory_space<vmem>> -> memref<1x128xi32, #tpu.memory_space<vmem>>
          %dma_start3A_760 = arith.constant 0 : i32
          %dma_start3A_761 = tpu.memref_slice %dma_start3A_759[%run_scoped3A_424, %dma_start3A_760] : memref<1x128xi32, #tpu.memory_space<vmem>> -> memref<1x128xi32, #tpu.memory_space<vmem>>
          %dma_start3A_762 = tpu.memref_squeeze %dma_start3A_761 : memref<1x128xi32, #tpu.memory_space<vmem>> -> memref<128xi32, #tpu.memory_space<vmem>>
          %dma_start3A_763 = arith.constant 0 : i32
          %dma_start3A_764 = arith.constant 0 : i32
          %dma_start3A_765 = tpu.memref_slice %arg4[%dma_start3A_763, %dma_start3A_764] : memref<10240x384xf32, #tpu.memory_space<hbm>> -> memref<10240x384xf32, #tpu.memory_space<hbm>>
          tpu.enqueue_indirect_dma source(%dma_start3A_755 : memref<128x384xf32, #tpu.memory_space<vmem>>) target(%dma_start3A_765 : memref<10240x384xf32, #tpu.memory_space<hbm>>) offsets(%dma_start3A_762 : memref<128xi32, #tpu.memory_space<vmem>>) semaphore(%run_scoped3A_751 : memref<!tpu.dma_semaphore, #tpu.memory_space<semaphore_mem>>)
          %dma_wait3A = arith.constant 0 : i32
          %dma_wait3A_766 = arith.constant 0 : i32
          %dma_wait3A_767 = tpu.memref_slice %run_scoped3A[%rem3A_421, %dma_wait3A, %dma_wait3A_766] : memref<2x128x384xf32, #tpu.memory_space<vmem>> -> memref<1x128x384xf32, #tpu.memory_space<vmem>>
          %dma_wait3A_768 = tpu.memref_squeeze %dma_wait3A_767 : memref<1x128x384xf32, #tpu.memory_space<vmem>> -> memref<128x384xf32, #tpu.memory_space<vmem>>
          %dma_wait3A_769 = arith.constant 0 : i32
          %dma_wait3A_770 = arith.constant 0 : i32
          %dma_wait3A_771 = tpu.memref_slice %run_scoped3A_8[%rem3A_423, %dma_wait3A_769, %dma_wait3A_770] : memref<2x1x128xi32, #tpu.memory_space<vmem>> -> memref<1x1x128xi32, #tpu.memory_space<vmem>>
          %dma_wait3A_772 = tpu.memref_squeeze %dma_wait3A_771 : memref<1x1x128xi32, #tpu.memory_space<vmem>> -> memref<1x128xi32, #tpu.memory_space<vmem>>
          %dma_wait3A_773 = arith.constant 0 : i32
          %dma_wait3A_774 = tpu.memref_slice %dma_wait3A_772[%run_scoped3A_424, %dma_wait3A_773] : memref<1x128xi32, #tpu.memory_space<vmem>> -> memref<1x128xi32, #tpu.memory_space<vmem>>
          %dma_wait3A_775 = tpu.memref_squeeze %dma_wait3A_774 : memref<1x128xi32, #tpu.memory_space<vmem>> -> memref<128xi32, #tpu.memory_space<vmem>>
          %dma_wait3A_776 = arith.constant 0 : i32
          %dma_wait3A_777 = arith.constant 0 : i32
          %dma_wait3A_778 = tpu.memref_slice %arg4[%dma_wait3A_776, %dma_wait3A_777] : memref<10240x384xf32, #tpu.memory_space<hbm>> -> memref<10240x384xf32, #tpu.memory_space<hbm>>
          tpu.wait_indirect_dma semaphore(%run_scoped3A_751 : memref<!tpu.dma_semaphore, #tpu.memory_space<semaphore_mem>>) src(%dma_wait3A_768 : memref<128x384xf32, #tpu.memory_space<vmem>>) dst(%dma_wait3A_778 : memref<10240x384xf32, #tpu.memory_space<hbm>>)
          tpu.yield
        }) : () -> ()
        %jit3A_425 = arith.constant 16 : i32
        "tpu.trace_stop"() : () -> ()
        %eq3A_426 = arith.constant 0 : i32
        %eq3A_427 = arith.cmpi eq, %jit3A_425, %eq3A_426 : i32
        %jit3A_428 = arith.constant 1 : i32
        %select_n3A_429 = arith.select %eq3A_427, %jit3A_428, %jit3A_425 : i32
        %rem3A_430 = arith.remsi %add3A_175, %select_n3A_429 : i32
        %ne3A_431 = arith.constant 0 : i32
        %ne3A_432 = arith.cmpi ne, %rem3A_430, %ne3A_431 : i32
        %lt3A_433 = arith.constant 0 : i32
        %lt3A_434 = arith.cmpi slt, %rem3A_430, %lt3A_433 : i32
        %lt3A_435 = arith.constant 0 : i32
        %lt3A_436 = arith.cmpi slt, %select_n3A_429, %lt3A_435 : i32
        %ne3A_437 = arith.xori %lt3A_434, %lt3A_436 : i1
        %and3A_438 = arith.andi %ne3A_437, %ne3A_432 : i1
        %add3A_439 = arith.addi %rem3A_430, %select_n3A_429 : i32
        %select_n3A_440 = arith.select %and3A_438, %add3A_439, %rem3A_430 : i32
        %jit3A_441 = arith.constant 32 : i32
        %div3A_442 = arith.divsi %add3A_175, %jit3A_441 : i32
        %sign3A_443 = arith.constant 0 : i32
        %sign3A_444 = arith.cmpi sgt, %add3A_175, %sign3A_443 : i32
        %sign3A_445 = arith.extui %sign3A_444 : i1 to i32
        %sign3A_446 = arith.constant 0 : i32
        %sign3A_447 = arith.cmpi slt, %add3A_175, %sign3A_446 : i32
        %sign3A_448 = arith.extui %sign3A_447 : i1 to i32
        %sign3A_449 = arith.subi %sign3A_445, %sign3A_448 : i32
        %sign3A_450 = arith.constant 0 : i32
        %sign3A_451 = arith.cmpi sgt, %jit3A_441, %sign3A_450 : i32
        %sign3A_452 = arith.extui %sign3A_451 : i1 to i32
        %sign3A_453 = arith.constant 0 : i32
        %sign3A_454 = arith.cmpi slt, %jit3A_441, %sign3A_453 : i32
        %sign3A_455 = arith.extui %sign3A_454 : i1 to i32
        %sign3A_456 = arith.subi %sign3A_452, %sign3A_455 : i32
        %ne3A_457 = arith.cmpi ne, %sign3A_449, %sign3A_456 : i32
        %rem3A_458 = arith.remsi %add3A_175, %jit3A_441 : i32
        %ne3A_459 = arith.constant 0 : i32
        %ne3A_460 = arith.cmpi ne, %rem3A_458, %ne3A_459 : i32
        %and3A_461 = arith.andi %ne3A_457, %ne3A_460 : i1
        %sub3A_462 = arith.constant 1 : i32
        %sub3A_463 = arith.subi %div3A_442, %sub3A_462 : i32
        %select_n3A_464 = arith.select %and3A_461, %sub3A_463, %div3A_442 : i32
        %mul3A_465 = arith.constant 16 : i32
        %mul3A_466 = arith.muli %mul3A_465, %select_n3A_464 : i32
        %add3A_467 = arith.addi %select_n3A_440, %mul3A_466 : i32
        %jit3A_468 = arith.constant 16 : i32
        %eq3A_469 = arith.constant 0 : i32
        %eq3A_470 = arith.cmpi eq, %jit3A_468, %eq3A_469 : i32
        %jit3A_471 = arith.constant 1 : i32
        %select_n3A_472 = arith.select %eq3A_470, %jit3A_471, %jit3A_468 : i32
        %rem3A_473 = arith.remsi %add3A_193, %select_n3A_472 : i32
        %ne3A_474 = arith.constant 0 : i32
        %ne3A_475 = arith.cmpi ne, %rem3A_473, %ne3A_474 : i32
        %lt3A_476 = arith.constant 0 : i32
        %lt3A_477 = arith.cmpi slt, %rem3A_473, %lt3A_476 : i32
        %lt3A_478 = arith.constant 0 : i32
        %lt3A_479 = arith.cmpi slt, %select_n3A_472, %lt3A_478 : i32
        %ne3A_480 = arith.xori %lt3A_477, %lt3A_479 : i1
        %and3A_481 = arith.andi %ne3A_480, %ne3A_475 : i1
        %add3A_482 = arith.addi %rem3A_473, %select_n3A_472 : i32
        %select_n3A_483 = arith.select %and3A_481, %add3A_482, %rem3A_473 : i32
        %jit3A_484 = arith.constant 32 : i32
        %div3A_485 = arith.divsi %add3A_193, %jit3A_484 : i32
        %sign3A_486 = arith.constant 0 : i32
        %sign3A_487 = arith.cmpi sgt, %add3A_193, %sign3A_486 : i32
        %sign3A_488 = arith.extui %sign3A_487 : i1 to i32
        %sign3A_489 = arith.constant 0 : i32
        %sign3A_490 = arith.cmpi slt, %add3A_193, %sign3A_489 : i32
        %sign3A_491 = arith.extui %sign3A_490 : i1 to i32
        %sign3A_492 = arith.subi %sign3A_488, %sign3A_491 : i32
        %sign3A_493 = arith.constant 0 : i32
        %sign3A_494 = arith.cmpi sgt, %jit3A_484, %sign3A_493 : i32
        %sign3A_495 = arith.extui %sign3A_494 : i1 to i32
        %sign3A_496 = arith.constant 0 : i32
        %sign3A_497 = arith.cmpi slt, %jit3A_484, %sign3A_496 : i32
        %sign3A_498 = arith.extui %sign3A_497 : i1 to i32
        %sign3A_499 = arith.subi %sign3A_495, %sign3A_498 : i32
        %ne3A_500 = arith.cmpi ne, %sign3A_492, %sign3A_499 : i32
        %rem3A_501 = arith.remsi %add3A_193, %jit3A_484 : i32
        %ne3A_502 = arith.constant 0 : i32
        %ne3A_503 = arith.cmpi ne, %rem3A_501, %ne3A_502 : i32
        %and3A_504 = arith.andi %ne3A_500, %ne3A_503 : i1
        %sub3A_505 = arith.constant 1 : i32
        %sub3A_506 = arith.subi %div3A_485, %sub3A_505 : i32
        %select_n3A_507 = arith.select %and3A_504, %sub3A_506, %div3A_485 : i32
        %mul3A_508 = arith.constant 16 : i32
        %mul3A_509 = arith.muli %mul3A_508, %select_n3A_507 : i32
        %add3A_510 = arith.addi %select_n3A_483, %mul3A_509 : i32
        %ne3A_511 = arith.cmpi ne, %add3A_467, %add3A_510 : i32
        %or3A_512 = arith.constant false
        %or3A_513 = arith.ori %or3A_512, %ne3A_511 : i1
        %or3A_514 = arith.constant false
        %or3A_515 = arith.ori %or3A_513, %or3A_514 : i1
        %or3A_516 = arith.ori %or3A_515, %eq3A_174 : i1
        %convert_element_type3A_517 = arith.extui %or3A_516 : i1 to i32
        %cond3A_518 = arith.constant 0 : i32
        %cond3A_519 = arith.cmpi ne, %convert_element_type3A_517, %cond3A_518 : i32
        scf.if %cond3A_519 {
        } else {
        }
        %and3A_520 = arith.constant false
        %and3A_521 = arith.andi %or3A_516, %and3A_520 : i1
        %ne3A_522 = arith.cmpi ne, %add3A_175, %add3A_193 : i32
        %or3A_523 = arith.constant false
        %or3A_524 = arith.ori %or3A_523, %ne3A_522 : i1
        %or3A_525 = arith.ori %or3A_524, %eq3A_174 : i1
        %convert_element_type3A_526 = arith.extui %or3A_525 : i1 to i32
        %cond3A_527 = arith.constant 0 : i32
        %cond3A_528 = arith.cmpi ne, %convert_element_type3A_526, %cond3A_527 : i32
        scf.if %cond3A_528 {
        } else {
        }
        %and3A_529 = arith.constant false
        %and3A_530 = arith.andi %or3A_525, %and3A_529 : i1
        %jit3A_531 = arith.constant 16 : i32
        %eq3A_532 = arith.constant 0 : i32
        %eq3A_533 = arith.cmpi eq, %jit3A_531, %eq3A_532 : i32
        %jit3A_534 = arith.constant 1 : i32
        %select_n3A_535 = arith.select %eq3A_533, %jit3A_534, %jit3A_531 : i32
        %rem3A_536 = arith.remsi %add3A_175, %select_n3A_535 : i32
        %ne3A_537 = arith.constant 0 : i32
        %ne3A_538 = arith.cmpi ne, %rem3A_536, %ne3A_537 : i32
        %lt3A_539 = arith.constant 0 : i32
        %lt3A_540 = arith.cmpi slt, %rem3A_536, %lt3A_539 : i32
        %lt3A_541 = arith.constant 0 : i32
        %lt3A_542 = arith.cmpi slt, %select_n3A_535, %lt3A_541 : i32
        %ne3A_543 = arith.xori %lt3A_540, %lt3A_542 : i1
        %and3A_544 = arith.andi %ne3A_543, %ne3A_538 : i1
        %add3A_545 = arith.addi %rem3A_536, %select_n3A_535 : i32
        %select_n3A_546 = arith.select %and3A_544, %add3A_545, %rem3A_536 : i32
        %jit3A_547 = arith.constant 32 : i32
        %div3A_548 = arith.divsi %add3A_175, %jit3A_547 : i32
        %sign3A_549 = arith.constant 0 : i32
        %sign3A_550 = arith.cmpi sgt, %add3A_175, %sign3A_549 : i32
        %sign3A_551 = arith.extui %sign3A_550 : i1 to i32
        %sign3A_552 = arith.constant 0 : i32
        %sign3A_553 = arith.cmpi slt, %add3A_175, %sign3A_552 : i32
        %sign3A_554 = arith.extui %sign3A_553 : i1 to i32
        %sign3A_555 = arith.subi %sign3A_551, %sign3A_554 : i32
        %sign3A_556 = arith.constant 0 : i32
        %sign3A_557 = arith.cmpi sgt, %jit3A_547, %sign3A_556 : i32
        %sign3A_558 = arith.extui %sign3A_557 : i1 to i32
        %sign3A_559 = arith.constant 0 : i32
        %sign3A_560 = arith.cmpi slt, %jit3A_547, %sign3A_559 : i32
        %sign3A_561 = arith.extui %sign3A_560 : i1 to i32
        %sign3A_562 = arith.subi %sign3A_558, %sign3A_561 : i32
        %ne3A_563 = arith.cmpi ne, %sign3A_555, %sign3A_562 : i32
        %rem3A_564 = arith.remsi %add3A_175, %jit3A_547 : i32
        %ne3A_565 = arith.constant 0 : i32
        %ne3A_566 = arith.cmpi ne, %rem3A_564, %ne3A_565 : i32
        %and3A_567 = arith.andi %ne3A_563, %ne3A_566 : i1
        %sub3A_568 = arith.constant 1 : i32
        %sub3A_569 = arith.subi %div3A_548, %sub3A_568 : i32
        %select_n3A_570 = arith.select %and3A_567, %sub3A_569, %div3A_548 : i32
        %mul3A_571 = arith.constant 16 : i32
        %mul3A_572 = arith.muli %mul3A_571, %select_n3A_570 : i32
        %add3A_573 = arith.addi %select_n3A_546, %mul3A_572 : i32
        %jit3A_574 = arith.constant 16 : i32
        %eq3A_575 = arith.constant 0 : i32
        %eq3A_576 = arith.cmpi eq, %jit3A_574, %eq3A_575 : i32
        %jit3A_577 = arith.constant 1 : i32
        %select_n3A_578 = arith.select %eq3A_576, %jit3A_577, %jit3A_574 : i32
        %rem3A_579 = arith.remsi %add3A_184, %select_n3A_578 : i32
        %ne3A_580 = arith.constant 0 : i32
        %ne3A_581 = arith.cmpi ne, %rem3A_579, %ne3A_580 : i32
        %lt3A_582 = arith.constant 0 : i32
        %lt3A_583 = arith.cmpi slt, %rem3A_579, %lt3A_582 : i32
        %lt3A_584 = arith.constant 0 : i32
        %lt3A_585 = arith.cmpi slt, %select_n3A_578, %lt3A_584 : i32
        %ne3A_586 = arith.xori %lt3A_583, %lt3A_585 : i1
        %and3A_587 = arith.andi %ne3A_586, %ne3A_581 : i1
        %add3A_588 = arith.addi %rem3A_579, %select_n3A_578 : i32
        %select_n3A_589 = arith.select %and3A_587, %add3A_588, %rem3A_579 : i32
        %jit3A_590 = arith.constant 32 : i32
        %div3A_591 = arith.divsi %add3A_184, %jit3A_590 : i32
        %sign3A_592 = arith.constant 0 : i32
        %sign3A_593 = arith.cmpi sgt, %add3A_184, %sign3A_592 : i32
        %sign3A_594 = arith.extui %sign3A_593 : i1 to i32
        %sign3A_595 = arith.constant 0 : i32
        %sign3A_596 = arith.cmpi slt, %add3A_184, %sign3A_595 : i32
        %sign3A_597 = arith.extui %sign3A_596 : i1 to i32
        %sign3A_598 = arith.subi %sign3A_594, %sign3A_597 : i32
        %sign3A_599 = arith.constant 0 : i32
        %sign3A_600 = arith.cmpi sgt, %jit3A_590, %sign3A_599 : i32
        %sign3A_601 = arith.extui %sign3A_600 : i1 to i32
        %sign3A_602 = arith.constant 0 : i32
        %sign3A_603 = arith.cmpi slt, %jit3A_590, %sign3A_602 : i32
        %sign3A_604 = arith.extui %sign3A_603 : i1 to i32
        %sign3A_605 = arith.subi %sign3A_601, %sign3A_604 : i32
        %ne3A_606 = arith.cmpi ne, %sign3A_598, %sign3A_605 : i32
        %rem3A_607 = arith.remsi %add3A_184, %jit3A_590 : i32
        %ne3A_608 = arith.constant 0 : i32
        %ne3A_609 = arith.cmpi ne, %rem3A_607, %ne3A_608 : i32
        %and3A_610 = arith.andi %ne3A_606, %ne3A_609 : i1
        %sub3A_611 = arith.constant 1 : i32
        %sub3A_612 = arith.subi %div3A_591, %sub3A_611 : i32
        %select_n3A_613 = arith.select %and3A_610, %sub3A_612, %div3A_591 : i32
        %mul3A_614 = arith.constant 16 : i32
        %mul3A_615 = arith.muli %mul3A_614, %select_n3A_613 : i32
        %add3A_616 = arith.addi %select_n3A_589, %mul3A_615 : i32
        %ne3A_617 = arith.cmpi ne, %add3A_573, %add3A_616 : i32
        %or3A_618 = arith.constant false
        %or3A_619 = arith.ori %or3A_618, %ne3A_617 : i1
        %or3A_620 = arith.constant false
        %or3A_621 = arith.ori %or3A_619, %or3A_620 : i1
        %not3A_622 = arith.constant true
        %not3A_623 = arith.xori %eq3A_172, %not3A_622 : i1
        %and3A_624 = arith.andi %or3A_621, %not3A_623 : i1
        %convert_element_type3A_625 = arith.extui %and3A_624 : i1 to i32
        %cond3A_626 = arith.constant 0 : i32
        %cond3A_627 = arith.cmpi ne, %convert_element_type3A_625, %cond3A_626 : i32
        scf.if %cond3A_627 {
        } else {
        }
        %and3A_628 = arith.constant false
        %and3A_629 = arith.andi %and3A_624, %and3A_628 : i1
        %ne3A_630 = arith.cmpi ne, %add3A_175, %add3A_184 : i32
        %or3A_631 = arith.constant false
        %or3A_632 = arith.ori %or3A_631, %ne3A_630 : i1
        %not3A_633 = arith.constant true
        %not3A_634 = arith.xori %eq3A_172, %not3A_633 : i1
        %and3A_635 = arith.andi %or3A_632, %not3A_634 : i1
        %convert_element_type3A_636 = arith.extui %and3A_635 : i1 to i32
        %cond3A_637 = arith.constant 0 : i32
        %cond3A_638 = arith.cmpi ne, %convert_element_type3A_636, %cond3A_637 : i32
        scf.if %cond3A_638 {
        } else {
        }
        %and3A_639 = arith.constant false
        %and3A_640 = arith.andi %and3A_635, %and3A_639 : i1
        %jit3A_641 = arith.constant 16 : i32
        %eq3A_642 = arith.constant 0 : i32
        %eq3A_643 = arith.cmpi eq, %jit3A_641, %eq3A_642 : i32
        %jit3A_644 = arith.constant 1 : i32
        %select_n3A_645 = arith.select %eq3A_643, %jit3A_644, %jit3A_641 : i32
        %rem3A_646 = arith.remsi %add3A_175, %select_n3A_645 : i32
        %ne3A_647 = arith.constant 0 : i32
        %ne3A_648 = arith.cmpi ne, %rem3A_646, %ne3A_647 : i32
        %lt3A_649 = arith.constant 0 : i32
        %lt3A_650 = arith.cmpi slt, %rem3A_646, %lt3A_649 : i32
        %lt3A_651 = arith.constant 0 : i32
        %lt3A_652 = arith.cmpi slt, %select_n3A_645, %lt3A_651 : i32
        %ne3A_653 = arith.xori %lt3A_650, %lt3A_652 : i1
        %and3A_654 = arith.andi %ne3A_653, %ne3A_648 : i1
        %add3A_655 = arith.addi %rem3A_646, %select_n3A_645 : i32
        %select_n3A_656 = arith.select %and3A_654, %add3A_655, %rem3A_646 : i32
        %jit3A_657 = arith.constant 32 : i32
        %div3A_658 = arith.divsi %add3A_175, %jit3A_657 : i32
        %sign3A_659 = arith.constant 0 : i32
        %sign3A_660 = arith.cmpi sgt, %add3A_175, %sign3A_659 : i32
        %sign3A_661 = arith.extui %sign3A_660 : i1 to i32
        %sign3A_662 = arith.constant 0 : i32
        %sign3A_663 = arith.cmpi slt, %add3A_175, %sign3A_662 : i32
        %sign3A_664 = arith.extui %sign3A_663 : i1 to i32
        %sign3A_665 = arith.subi %sign3A_661, %sign3A_664 : i32
        %sign3A_666 = arith.constant 0 : i32
        %sign3A_667 = arith.cmpi sgt, %jit3A_657, %sign3A_666 : i32
        %sign3A_668 = arith.extui %sign3A_667 : i1 to i32
        %sign3A_669 = arith.constant 0 : i32
        %sign3A_670 = arith.cmpi slt, %jit3A_657, %sign3A_669 : i32
        %sign3A_671 = arith.extui %sign3A_670 : i1 to i32
        %sign3A_672 = arith.subi %sign3A_668, %sign3A_671 : i32
        %ne3A_673 = arith.cmpi ne, %sign3A_665, %sign3A_672 : i32
        %rem3A_674 = arith.remsi %add3A_175, %jit3A_657 : i32
        %ne3A_675 = arith.constant 0 : i32
        %ne3A_676 = arith.cmpi ne, %rem3A_674, %ne3A_675 : i32
        %and3A_677 = arith.andi %ne3A_673, %ne3A_676 : i1
        %sub3A_678 = arith.constant 1 : i32
        %sub3A_679 = arith.subi %div3A_658, %sub3A_678 : i32
        %select_n3A_680 = arith.select %and3A_677, %sub3A_679, %div3A_658 : i32
        %mul3A_681 = arith.constant 16 : i32
        %mul3A_682 = arith.muli %mul3A_681, %select_n3A_680 : i32
        %add3A_683 = arith.addi %select_n3A_656, %mul3A_682 : i32
        %jit3A_684 = arith.constant 16 : i32
        %eq3A_685 = arith.constant 0 : i32
        %eq3A_686 = arith.cmpi eq, %jit3A_684, %eq3A_685 : i32
        %jit3A_687 = arith.constant 1 : i32
        %select_n3A_688 = arith.select %eq3A_686, %jit3A_687, %jit3A_684 : i32
        %rem3A_689 = arith.remsi %add3A_193, %select_n3A_688 : i32
        %ne3A_690 = arith.constant 0 : i32
        %ne3A_691 = arith.cmpi ne, %rem3A_689, %ne3A_690 : i32
        %lt3A_692 = arith.constant 0 : i32
        %lt3A_693 = arith.cmpi slt, %rem3A_689, %lt3A_692 : i32
        %lt3A_694 = arith.constant 0 : i32
        %lt3A_695 = arith.cmpi slt, %select_n3A_688, %lt3A_694 : i32
        %ne3A_696 = arith.xori %lt3A_693, %lt3A_695 : i1
        %and3A_697 = arith.andi %ne3A_696, %ne3A_691 : i1
        %add3A_698 = arith.addi %rem3A_689, %select_n3A_688 : i32
        %select_n3A_699 = arith.select %and3A_697, %add3A_698, %rem3A_689 : i32
        %jit3A_700 = arith.constant 32 : i32
        %div3A_701 = arith.divsi %add3A_193, %jit3A_700 : i32
        %sign3A_702 = arith.constant 0 : i32
        %sign3A_703 = arith.cmpi sgt, %add3A_193, %sign3A_702 : i32
        %sign3A_704 = arith.extui %sign3A_703 : i1 to i32
        %sign3A_705 = arith.constant 0 : i32
        %sign3A_706 = arith.cmpi slt, %add3A_193, %sign3A_705 : i32
        %sign3A_707 = arith.extui %sign3A_706 : i1 to i32
        %sign3A_708 = arith.subi %sign3A_704, %sign3A_707 : i32
        %sign3A_709 = arith.constant 0 : i32
        %sign3A_710 = arith.cmpi sgt, %jit3A_700, %sign3A_709 : i32
        %sign3A_711 = arith.extui %sign3A_710 : i1 to i32
        %sign3A_712 = arith.constant 0 : i32
        %sign3A_713 = arith.cmpi slt, %jit3A_700, %sign3A_712 : i32
        %sign3A_714 = arith.extui %sign3A_713 : i1 to i32
        %sign3A_715 = arith.subi %sign3A_711, %sign3A_714 : i32
        %ne3A_716 = arith.cmpi ne, %sign3A_708, %sign3A_715 : i32
        %rem3A_717 = arith.remsi %add3A_193, %jit3A_700 : i32
        %ne3A_718 = arith.constant 0 : i32
        %ne3A_719 = arith.cmpi ne, %rem3A_717, %ne3A_718 : i32
        %and3A_720 = arith.andi %ne3A_716, %ne3A_719 : i1
        %sub3A_721 = arith.constant 1 : i32
        %sub3A_722 = arith.subi %div3A_701, %sub3A_721 : i32
        %select_n3A_723 = arith.select %and3A_720, %sub3A_722, %div3A_701 : i32
        %mul3A_724 = arith.constant 16 : i32
        %mul3A_725 = arith.muli %mul3A_724, %select_n3A_723 : i32
        %add3A_726 = arith.addi %select_n3A_699, %mul3A_725 : i32
        %ne3A_727 = arith.cmpi ne, %add3A_683, %add3A_726 : i32
        %or3A_728 = arith.constant false
        %or3A_729 = arith.ori %or3A_728, %ne3A_727 : i1
        %or3A_730 = arith.constant false
        %or3A_731 = arith.ori %or3A_729, %or3A_730 : i1
        %or3A_732 = arith.ori %or3A_731, %eq3A_174 : i1
        %add3A_733 = arith.constant 1 : i32
        %add3A_734 = arith.addi %scan3A_167, %add3A_733 : i32
        %select_n3A_735 = arith.select %or3A_732, %add3A_734, %scan3A_167 : i32
        %ne3A_736 = arith.cmpi ne, %add3A_175, %add3A_193 : i32
        %or3A_737 = arith.constant false
        %or3A_738 = arith.ori %or3A_737, %ne3A_736 : i1
        %or3A_739 = arith.ori %or3A_738, %eq3A_174 : i1
        %add3A_740 = arith.constant 1 : i32
        %add3A_741 = arith.addi %scan3A_169, %add3A_740 : i32
        %select_n3A_742 = arith.select %or3A_739, %add3A_741, %scan3A_169 : i32
        %add3A_743 = arith.constant 1 : i32
        %add3A_744 = arith.addi %scan3A_170, %add3A_743 : i32
        %select_n3A_745 = arith.constant true
        %select_n3A_746 = arith.select %select_n3A_745, %add3A_744, %scan3A_170 : i32
        %eq3A_747 = arith.constant 2 : i32
        %eq3A_748 = arith.cmpi eq, %select_n3A_746, %eq3A_747 : i32
        %select_n3A_749 = arith.constant 0 : i32
        %select_n3A_750 = arith.select %eq3A_748, %select_n3A_749, %select_n3A_746 : i32
        scf.yield %select_n3A_301, %select_n3A_735, %select_n3A_317, %select_n3A_742, %select_n3A_750 : i32, i32, i32, i32, i32
      }
      %scan3A_128 = arith.constant 2 : i32
      %sub3A_129 = arith.constant 1 : i32
      %sub3A_130 = arith.subi %scan3A_127#4, %sub3A_129 : i32
      %select_n3A_131 = arith.constant true
      %select_n3A_132 = arith.select %select_n3A_131, %sub3A_130, %scan3A_127#4 : i32
      %eq3A_133 = arith.constant -1 : i32
      %eq3A_134 = arith.cmpi eq, %select_n3A_132, %eq3A_133 : i32
      %select_n3A_135 = arith.constant 1 : i32
      %select_n3A_136 = arith.select %eq3A_134, %select_n3A_135, %select_n3A_132 : i32
      %add3A_137 = arith.addi %select_n3A_136, %mul3A_6 : i32
      %sub3A_138 = arith.constant 1 : i32
      %sub3A_139 = arith.subi %select_n3A_136, %sub3A_138 : i32
      %select_n3A_140 = arith.constant true
      %select_n3A_141 = arith.select %select_n3A_140, %sub3A_139, %select_n3A_136 : i32
      %eq3A_142 = arith.constant -1 : i32
      %eq3A_143 = arith.cmpi eq, %select_n3A_141, %eq3A_142 : i32
      %select_n3A_144 = arith.constant 1 : i32
      %select_n3A_145 = arith.select %eq3A_143, %select_n3A_144, %select_n3A_141 : i32
      %add3A_146 = arith.addi %select_n3A_145, %mul3A_6 : i32
      %add3A_147 = arith.constant 1 : i32
      %add3A_148 = arith.addi %select_n3A_136, %add3A_147 : i32
      %select_n3A_149 = arith.constant true
      %select_n3A_150 = arith.select %select_n3A_149, %add3A_148, %select_n3A_136 : i32
      %eq3A_151 = arith.constant 2 : i32
      %eq3A_152 = arith.cmpi eq, %select_n3A_150, %eq3A_151 : i32
      %select_n3A_153 = arith.constant 0 : i32
      %select_n3A_154 = arith.select %eq3A_152, %select_n3A_153, %select_n3A_150 : i32
      %add3A_155 = arith.addi %select_n3A_154, %mul3A_6 : i32
      %add3A_156 = arith.constant 1 : i32
      %add3A_157 = arith.addi %select_n3A_154, %add3A_156 : i32
      %select_n3A_158 = arith.constant true
      %select_n3A_159 = arith.select %select_n3A_158, %add3A_157, %select_n3A_154 : i32
      %eq3A_160 = arith.constant 2 : i32
      %eq3A_161 = arith.cmpi eq, %select_n3A_159, %eq3A_160 : i32
      %select_n3A_162 = arith.constant 0 : i32
      %select_n3A_163 = arith.select %eq3A_161, %select_n3A_162, %select_n3A_159 : i32
      %add3A_164 = arith.addi %select_n3A_163, %mul3A_6 : i32
      tpu.yield
    }) : () -> ()
    return
  }
}

module attributes {stable_mosaic.version = 14 : i64} {
  func.func @_gmm_kernel(%arg0: i32, %arg1: memref<40xi32, #tpu.memory_space<smem>>, %arg2: memref<40xi32, #tpu.memory_space<smem>>, %arg3: memref<128x384xf32, #tpu.memory_space<vmem>>, %arg4: memref<128x384xf32, #tpu.memory_space<vmem>>, %arg5: memref<1x768x2048xf32, #tpu.memory_space<vmem>>, %arg6: memref<1x2048x768xf32, #tpu.memory_space<vmem>>, %arg7: memref<2x128x384xf32, #tpu.memory_space<vmem>>) attributes {dimension_semantics = [#tpu.dimension_semantics<arbitrary>], iteration_bounds = array<i64: 40>, scalar_prefetch = 2 : i64, scratch_operands = 0 : i64, tpu.core_type = #tpu.core_type<tc>, window_params = [{transform_indices = @transform_0, window_bounds = array<i64: 128, 384>}, {transform_indices = @transform_1, window_bounds = array<i64: 128, 384>}, {transform_indices = @transform_2, window_bounds = array<i64: 1, 768, 2048>}, {transform_indices = @transform_3, window_bounds = array<i64: 1, 2048, 768>}, {transform_indices = @transform_4, window_bounds = array<i64: 2, 128, 384>}]} {
    %get3A = arith.index_cast %arg0 : i32 to index
    %get3A_0 = memref.load %arg2[%get3A] : memref<40xi32, #tpu.memory_space<smem>>
    %gt3A = arith.constant 0 : i32
    %gt3A_1 = arith.cmpi sgt, %get3A_0, %gt3A : i32
    %convert_element_type3A = arith.extui %gt3A_1 : i1 to i32
    %cond3A = arith.constant 0 : i32
    %cond3A_2 = arith.cmpi ne, %convert_element_type3A, %cond3A : i32
    scf.if %cond3A_2 {
      %get3A_3 = arith.constant 0 : index
      %get3A_4 = arith.constant 0 : index
      %get3A_5 = vector.load %arg3[%get3A_3, %get3A_4] : memref<128x384xf32, #tpu.memory_space<vmem>>, vector<128x384xf32>
      %get3A_6 = arith.constant 0 : index
      %get3A_7 = arith.constant 0 : index
      %get3A_8 = vector.load %arg4[%get3A_6, %get3A_7] : memref<128x384xf32, #tpu.memory_space<vmem>>, vector<128x384xf32>
      %concatenate3A = tpu.concatenate %get3A_5, %get3A_8 in 1 : vector<128x384xf32>, vector<128x384xf32> -> vector<128x768xf32>
      %get3A_9 = arith.constant 0 : index
      %get3A_10 = arith.constant 0 : index
      %get3A_11 = arith.constant 0 : index
      %get3A_12 = vector.load %arg5[%get3A_9, %get3A_10, %get3A_11] : memref<1x768x2048xf32, #tpu.memory_space<vmem>>, vector<1x768x2048xf32>
      %get3A_13 = vector.shape_cast %get3A_12 : vector<1x768x2048xf32> to vector<768x2048xf32>
      %dot_general3A = arith.constant dense<0.000000e+00> : vector<128x2048xf32>
      %dot_general3A_14 = tpu.matmul %concatenate3A, %get3A_13, %dot_general3A {dimension_numbers = #tpu.dot_dimension_numbers<[1], [0], [0], [1], [0, 0, 1, 1], [], []>, transpose_lhs_hint = false} : vector<128x768xf32>, vector<768x2048xf32>, vector<128x2048xf32> -> vector<128x2048xf32>
      %logistic3A = arith.negf %dot_general3A_14 : vector<128x2048xf32>
      %logistic3A_15 = math.exp %logistic3A : vector<128x2048xf32>
      %logistic3A_16 = arith.constant 1.000000e+00 : f32
      %logistic3A_17 = vector.broadcast %logistic3A_16 : f32 to vector<128x2048xf32>
      %logistic3A_18 = arith.addf %logistic3A_17, %logistic3A_15 : vector<128x2048xf32>
      %logistic3A_19 = arith.divf %logistic3A_17, %logistic3A_18 : vector<128x2048xf32>
      %mul3A = arith.mulf %dot_general3A_14, %logistic3A_19 : vector<128x2048xf32>
      %get3A_20 = arith.constant 0 : index
      %get3A_21 = arith.constant 0 : index
      %get3A_22 = arith.constant 0 : index
      %get3A_23 = vector.load %arg6[%get3A_20, %get3A_21, %get3A_22] : memref<1x2048x768xf32, #tpu.memory_space<vmem>>, vector<1x2048x768xf32>
      %get3A_24 = vector.shape_cast %get3A_23 : vector<1x2048x768xf32> to vector<2048x768xf32>
      %dot_general3A_25 = arith.constant dense<0.000000e+00> : vector<128x768xf32>
      %dot_general3A_26 = tpu.matmul %mul3A, %get3A_24, %dot_general3A_25 {dimension_numbers = #tpu.dot_dimension_numbers<[1], [0], [0], [1], [0, 0, 1, 1], [], []>, transpose_lhs_hint = false} : vector<128x2048xf32>, vector<2048x768xf32>, vector<128x768xf32> -> vector<128x768xf32>
      %slice3A = vector.extract_strided_slice %dot_general3A_26 {offsets = [0, 0], sizes = [128, 384], strides = [1, 1]} : vector<128x768xf32> to vector<128x384xf32>
      %swap3A = arith.constant 0 : index
      %swap3A_27 = arith.constant 0 : index
      %swap3A_28 = arith.constant 0 : index
      %swap3A_29 = vector.load %arg7[%swap3A, %swap3A_27, %swap3A_28] : memref<2x128x384xf32, #tpu.memory_space<vmem>>, vector<1x128x384xf32>
      %swap3A_30 = vector.shape_cast %swap3A_29 : vector<1x128x384xf32> to vector<128x384xf32>
      %swap3A_31 = vector.shape_cast %slice3A : vector<128x384xf32> to vector<1x128x384xf32>
      tpu.vector_store %arg7[%swap3A, %swap3A_27, %swap3A_28], %swap3A_31 {strides = array<i32>} : memref<2x128x384xf32, #tpu.memory_space<vmem>>, vector<1x128x384xf32>,
      %slice3A_32 = vector.extract_strided_slice %dot_general3A_26 {offsets = [0, 384], sizes = [128, 384], strides = [1, 1]} : vector<128x768xf32> to vector<128x384xf32>
      %swap3A_33 = arith.constant 1 : index
      %swap3A_34 = arith.constant 0 : index
      %swap3A_35 = arith.constant 0 : index
      %swap3A_36 = vector.load %arg7[%swap3A_33, %swap3A_34, %swap3A_35] : memref<2x128x384xf32, #tpu.memory_space<vmem>>, vector<1x128x384xf32>
      %swap3A_37 = vector.shape_cast %swap3A_36 : vector<1x128x384xf32> to vector<128x384xf32>
      %swap3A_38 = vector.shape_cast %slice3A_32 : vector<128x384xf32> to vector<1x128x384xf32>
      tpu.vector_store %arg7[%swap3A_33, %swap3A_34, %swap3A_35], %swap3A_38 {strides = array<i32>} : memref<2x128x384xf32, #tpu.memory_space<vmem>>, vector<1x128x384xf32>,
    } else {
    }
    return
  }
  func.func @transform_0(%arg0: i32, %arg1: memref<40xi32, #tpu.memory_space<smem>>, %arg2: memref<40xi32, #tpu.memory_space<smem>>) -> (i32, i32) {
    %c0_i32 = arith.constant 0 : i32
    %c0_i32_0 = arith.constant 0 : i32
    return %arg0, %c0_i32 : i32, i32
  }
  func.func @transform_1(%arg0: i32, %arg1: memref<40xi32, #tpu.memory_space<smem>>, %arg2: memref<40xi32, #tpu.memory_space<smem>>) -> (i32, i32) {
    %add3A = arith.constant 40 : i32
    %add3A_0 = arith.addi %arg0, %add3A : i32
    %c0_i32 = arith.constant 0 : i32
    %c0_i32_1 = arith.constant 0 : i32
    return %add3A_0, %c0_i32 : i32, i32
  }
  func.func @transform_2(%arg0: i32, %arg1: memref<40xi32, #tpu.memory_space<smem>>, %arg2: memref<40xi32, #tpu.memory_space<smem>>) -> (i32, i32, i32) {
    %get3A = arith.index_cast %arg0 : i32 to index
    %get3A_0 = memref.load %arg1[%get3A] : memref<40xi32, #tpu.memory_space<smem>>
    %c0_i32 = arith.constant 0 : i32
    %c0_i32_1 = arith.constant 0 : i32
    %c0_i32_2 = arith.constant 0 : i32
    return %get3A_0, %c0_i32, %c0_i32_1 : i32, i32, i32
  }
  func.func @transform_3(%arg0: i32, %arg1: memref<40xi32, #tpu.memory_space<smem>>, %arg2: memref<40xi32, #tpu.memory_space<smem>>) -> (i32, i32, i32) {
    %get3A = arith.index_cast %arg0 : i32 to index
    %get3A_0 = memref.load %arg1[%get3A] : memref<40xi32, #tpu.memory_space<smem>>
    %c0_i32 = arith.constant 0 : i32
    %c0_i32_1 = arith.constant 0 : i32
    %c0_i32_2 = arith.constant 0 : i32
    return %get3A_0, %c0_i32, %c0_i32_1 : i32, i32, i32
  }
  func.func @transform_4(%arg0: i32, %arg1: memref<40xi32, #tpu.memory_space<smem>>, %arg2: memref<40xi32, #tpu.memory_space<smem>>) -> (i32, i32, i32) {
    %c0_i32 = arith.constant 0 : i32
    %c0_i32_0 = arith.constant 0 : i32
    %c0_i32_1 = arith.constant 0 : i32
    return %c0_i32, %arg0, %c0_i32_0 : i32, i32, i32
  }
}

module attributes {stable_mosaic.version = 14 : i64} {
  func.func @_router_kernel(%arg0: i32, %arg1: memref<2048x768xf32, #tpu.memory_space<vmem>>, %arg2: memref<768x8xf32, #tpu.memory_space<vmem>>, %arg3: memref<768xf32, #tpu.memory_space<vmem>>, %arg4: memref<768xf32, #tpu.memory_space<vmem>>, %arg5: memref<2048x2048xbf16, #tpu.memory_space<vmem>>, %arg6: memref<4096x384xf32, #tpu.memory_space<vmem>>, %arg7: memref<1x8192xi32, #tpu.memory_space<vmem>>, %arg8: memref<2048x2xf32, #tpu.memory_space<vmem>>, %arg9: memref<40xi32, #tpu.memory_space<vmem>>, %arg10: memref<40xi32, #tpu.memory_space<vmem>>) attributes {dimension_semantics = [#tpu.dimension_semantics<arbitrary>], iteration_bounds = array<i64: 1>, scalar_prefetch = 0 : i64, scratch_operands = 0 : i64, tpu.core_type = #tpu.core_type<tc>, window_params = [{pipeline_mode = #tpu.pipeline_mode<synchronous>, transform_indices = @transform_0, window_bounds = array<i64: 2048, 768>}, {pipeline_mode = #tpu.pipeline_mode<synchronous>, transform_indices = @transform_1, window_bounds = array<i64: 768, 8>}, {pipeline_mode = #tpu.pipeline_mode<synchronous>, transform_indices = @transform_2, window_bounds = array<i64: 768>}, {pipeline_mode = #tpu.pipeline_mode<synchronous>, transform_indices = @transform_3, window_bounds = array<i64: 768>}, {pipeline_mode = #tpu.pipeline_mode<synchronous>, transform_indices = @transform_4, window_bounds = array<i64: 2048, 2048>}, {pipeline_mode = #tpu.pipeline_mode<synchronous>, transform_indices = @transform_5, window_bounds = array<i64: 4096, 384>}, {pipeline_mode = #tpu.pipeline_mode<synchronous>, transform_indices = @transform_6, window_bounds = array<i64: 1, 8192>}, {pipeline_mode = #tpu.pipeline_mode<synchronous>, transform_indices = @transform_7, window_bounds = array<i64: 2048, 2>}, {pipeline_mode = #tpu.pipeline_mode<synchronous>, transform_indices = @transform_8, window_bounds = array<i64: 40>}, {pipeline_mode = #tpu.pipeline_mode<synchronous>, transform_indices = @transform_9, window_bounds = array<i64: 40>}]} {
    %get3A = arith.constant 0 : index
    %get3A_0 = arith.constant 0 : index
    %get3A_1 = vector.load %arg1[%get3A, %get3A_0] : memref<2048x768xf32, #tpu.memory_space<vmem>>, vector<2048x768xf32>
    %reduce_sum3A = arith.constant dense<0.000000e+00> : vector<2048xf32>
    %reduce_sum3A_2 = vector.multi_reduction <add>, %get3A_1, %reduce_sum3A [1] : vector<2048x768xf32> to vector<2048xf32>
    %broadcast_in_dim3A = vector.shape_cast %reduce_sum3A_2 : vector<2048xf32> to vector<2048x1xf32>
    %div3A = arith.constant 7.680000e+02 : f32
    %div3A_3 = vector.broadcast %div3A : f32 to vector<2048x1xf32>
    %div3A_4 = arith.divf %broadcast_in_dim3A, %div3A_3 : vector<2048x1xf32>
    %sub3A = vector.broadcast %div3A_4 : vector<2048x1xf32> to vector<2048x768xf32>
    %sub3A_5 = arith.subf %get3A_1, %sub3A : vector<2048x768xf32>
    %mul3A = arith.mulf %sub3A_5, %sub3A_5 : vector<2048x768xf32>
    %reduce_sum3A_6 = arith.constant dense<0.000000e+00> : vector<2048xf32>
    %reduce_sum3A_7 = vector.multi_reduction <add>, %mul3A, %reduce_sum3A_6 [1] : vector<2048x768xf32> to vector<2048xf32>
    %broadcast_in_dim3A_8 = vector.shape_cast %reduce_sum3A_7 : vector<2048xf32> to vector<2048x1xf32>
    %div3A_9 = arith.constant 7.680000e+02 : f32
    %div3A_10 = vector.broadcast %div3A_9 : f32 to vector<2048x1xf32>
    %div3A_11 = arith.divf %broadcast_in_dim3A_8, %div3A_10 : vector<2048x1xf32>
    %add3A = arith.constant 9.99999974E-6 : f32
    %add3A_12 = vector.broadcast %add3A : f32 to vector<2048x1xf32>
    %add3A_13 = arith.addf %div3A_11, %add3A_12 : vector<2048x1xf32>
    %rsqrt3A = math.rsqrt %add3A_13 : vector<2048x1xf32>
    %mul3A_14 = vector.broadcast %rsqrt3A : vector<2048x1xf32> to vector<2048x768xf32>
    %mul3A_15 = arith.mulf %sub3A_5, %mul3A_14 : vector<2048x768xf32>
    %get3A_16 = arith.constant 0 : index
    %get3A_17 = vector.load %arg3[%get3A_16] : memref<768xf32, #tpu.memory_space<vmem>>, vector<768xf32>
    %broadcast_in_dim3A_18 = vector.shape_cast %get3A_17 : vector<768xf32> to vector<1x768xf32>
    %mul3A_19 = vector.broadcast %broadcast_in_dim3A_18 : vector<1x768xf32> to vector<2048x768xf32>
    %mul3A_20 = arith.mulf %mul3A_15, %mul3A_19 : vector<2048x768xf32>
    %get3A_21 = arith.constant 0 : index
    %get3A_22 = vector.load %arg4[%get3A_21] : memref<768xf32, #tpu.memory_space<vmem>>, vector<768xf32>
    %broadcast_in_dim3A_23 = vector.shape_cast %get3A_22 : vector<768xf32> to vector<1x768xf32>
    %add3A_24 = vector.broadcast %broadcast_in_dim3A_23 : vector<1x768xf32> to vector<2048x768xf32>
    %add3A_25 = arith.addf %mul3A_20, %add3A_24 : vector<2048x768xf32>
    %slice3A = vector.extract_strided_slice %add3A_25 {offsets = [0, 0], sizes = [2048, 384], strides = [1, 1]} : vector<2048x768xf32> to vector<2048x384xf32>
    %swap3A = arith.constant 0 : index
    %swap3A_26 = arith.constant 0 : index
    %swap3A_27 = vector.load %arg6[%swap3A, %swap3A_26] : memref<4096x384xf32, #tpu.memory_space<vmem>>, vector<2048x384xf32>
    tpu.vector_store %arg6[%swap3A, %swap3A_26], %slice3A {strides = array<i32>} : memref<4096x384xf32, #tpu.memory_space<vmem>>, vector<2048x384xf32>,
    %slice3A_28 = vector.extract_strided_slice %add3A_25 {offsets = [0, 384], sizes = [2048, 384], strides = [1, 1]} : vector<2048x768xf32> to vector<2048x384xf32>
    %swap3A_29 = arith.constant 2048 : index
    %swap3A_30 = arith.constant 0 : index
    %swap3A_31 = vector.load %arg6[%swap3A_29, %swap3A_30] : memref<4096x384xf32, #tpu.memory_space<vmem>>, vector<2048x384xf32>
    tpu.vector_store %arg6[%swap3A_29, %swap3A_30], %slice3A_28 {strides = array<i32>} : memref<4096x384xf32, #tpu.memory_space<vmem>>, vector<2048x384xf32>,
    %get3A_32 = arith.constant 0 : index
    %get3A_33 = arith.constant 0 : index
    %get3A_34 = vector.load %arg2[%get3A_32, %get3A_33] : memref<768x8xf32, #tpu.memory_space<vmem>>, vector<768x8xf32>
    %dot_general3A = arith.constant dense<0.000000e+00> : vector<2048x8xf32>
    %dot_general3A_35 = tpu.matmul %add3A_25, %get3A_34, %dot_general3A {dimension_numbers = #tpu.dot_dimension_numbers<[1], [0], [0], [1], [0, 0, 1, 1], [], []>, transpose_lhs_hint = false} : vector<2048x768xf32>, vector<768x8xf32>, vector<2048x8xf32> -> vector<2048x8xf32>
    %reduce_max3A = arith.constant dense<0xFF800000> : vector<2048xf32>
    %reduce_max3A_36 = vector.multi_reduction <maximumf>, %dot_general3A_35, %reduce_max3A [1] : vector<2048x8xf32> to vector<2048xf32>
    %max3A = arith.constant 0xFF800000 : f32
    %max3A_37 = vector.broadcast %max3A : f32 to vector<2048xf32>
    %max3A_38 = arith.maximumf %max3A_37, %reduce_max3A_36 : vector<2048xf32>
    %broadcast_in_dim3A_39 = vector.shape_cast %max3A_38 : vector<2048xf32> to vector<2048x1xf32>
    %sub3A_40 = vector.broadcast %broadcast_in_dim3A_39 : vector<2048x1xf32> to vector<2048x8xf32>
    %sub3A_41 = arith.subf %dot_general3A_35, %sub3A_40 : vector<2048x8xf32>
    %exp3A = math.exp %sub3A_41 : vector<2048x8xf32>
    %reduce_sum3A_42 = arith.constant dense<0.000000e+00> : vector<2048xf32>
    %reduce_sum3A_43 = vector.multi_reduction <add>, %exp3A, %reduce_sum3A_42 [1] : vector<2048x8xf32> to vector<2048xf32>
    %broadcast_in_dim3A_44 = vector.shape_cast %reduce_sum3A_43 : vector<2048xf32> to vector<2048x1xf32>
    %div3A_45 = vector.broadcast %broadcast_in_dim3A_44 : vector<2048x1xf32> to vector<2048x8xf32>
    %div3A_46 = arith.divf %exp3A, %div3A_45 : vector<2048x8xf32>
    %iota3A = tpu.iota {dimensions = array<i32: 1>} : vector<2048x8xi32>
    %reduce_max3A_47 = arith.constant dense<0xFF800000> : vector<2048xf32>
    %reduce_max3A_48 = vector.multi_reduction <maximumf>, %div3A_46, %reduce_max3A_47 [1] : vector<2048x8xf32> to vector<2048xf32>
    %argmax3A = tpu.reduce_index %div3A_46 {axis = 1 : i32, kind = #tpu.reduction_kind<arg_max>} : vector<2048x8xf32> -> vector<2048xi32>
    %broadcast_in_dim3A_49 = vector.shape_cast %argmax3A : vector<2048xi32> to vector<2048x1xi32>
    %eq3A = vector.broadcast %broadcast_in_dim3A_49 : vector<2048x1xi32> to vector<2048x8xi32>
    %eq3A_50 = arith.cmpi eq, %iota3A, %eq3A : vector<2048x8xi32>
    %jit3A = arith.constant 0xFF800000 : f32
    %broadcast_in_dim3A_51 = vector.broadcast %jit3A : f32 to vector<2048x8xf32>
    %select_n3A = arith.select %eq3A_50, %broadcast_in_dim3A_51, %div3A_46 : vector<2048x8xi1>, vector<2048x8xf32>
    %reduce_max3A_52 = arith.constant dense<0xFF800000> : vector<2048xf32>
    %reduce_max3A_53 = vector.multi_reduction <maximumf>, %select_n3A, %reduce_max3A_52 [1] : vector<2048x8xf32> to vector<2048xf32>
    %argmax3A_54 = tpu.reduce_index %select_n3A {axis = 1 : i32, kind = #tpu.reduction_kind<arg_max>} : vector<2048x8xf32> -> vector<2048xi32>
    %broadcast_in_dim3A_55 = vector.shape_cast %argmax3A_54 : vector<2048xi32> to vector<2048x1xi32>
    %eq3A_56 = vector.broadcast %broadcast_in_dim3A_55 : vector<2048x1xi32> to vector<2048x8xi32>
    %eq3A_57 = arith.cmpi eq, %iota3A, %eq3A_56 : vector<2048x8xi32>
    %add3A_58 = arith.addf %reduce_max3A_48, %reduce_max3A_53 : vector<2048xf32>
    %div3A_59 = arith.divf %reduce_max3A_48, %add3A_58 : vector<2048xf32>
    %div3A_60 = arith.divf %reduce_max3A_53, %add3A_58 : vector<2048xf32>
    %stack3A = vector.shape_cast %div3A_59 : vector<2048xf32> to vector<2048x1xf32>
    %stack3A_61 = vector.shape_cast %div3A_60 : vector<2048xf32> to vector<2048x1xf32>
    %stack3A_62 = tpu.concatenate %stack3A, %stack3A_61 in 1 : vector<2048x1xf32>, vector<2048x1xf32> -> vector<2048x2xf32>
    %swap3A_63 = arith.constant 0 : index
    %swap3A_64 = arith.constant 0 : index
    %swap3A_65 = vector.load %arg8[%swap3A_63, %swap3A_64] : memref<2048x2xf32, #tpu.memory_space<vmem>>, vector<2048x2xf32>
    tpu.vector_store %arg8[%swap3A_63, %swap3A_64], %stack3A_62 {strides = array<i32>} : memref<2048x2xf32, #tpu.memory_space<vmem>>, vector<2048x2xf32>,
    %or3A = arith.ori %eq3A_50, %eq3A_57 : vector<2048x8xi1>
    %convert_element_type3A = arith.extui %or3A : vector<2048x8xi1> to vector<2048x8xi32>
    %convert_element_type3A_66 = arith.sitofp %convert_element_type3A : vector<2048x8xi32> to vector<2048x8xf32>
    %get3A_67 = arith.constant 0 : index
    %get3A_68 = arith.constant 0 : index
    %get3A_69 = vector.load %arg5[%get3A_67, %get3A_68] : memref<2048x2048xbf16, #tpu.memory_space<vmem>>, vector<2048x2048xbf16>
    %convert_element_type3A_70 = arith.truncf %convert_element_type3A_66 : vector<2048x8xf32> to vector<2048x8xbf16>
    %dot_general3A_71 = arith.constant dense<0.000000e+00> : vector<2048x8xf32>
    %dot_general3A_72 = tpu.matmul %get3A_69, %convert_element_type3A_70, %dot_general3A_71 {dimension_numbers = #tpu.dot_dimension_numbers<[1], [0], [0], [1], [0, 0, 1, 1], [], []>, transpose_lhs_hint = false} : vector<2048x2048xbf16>, vector<2048x8xbf16>, vector<2048x8xf32> -> vector<2048x8xf32>
    %slice3A_73 = vector.extract_strided_slice %dot_general3A_72 {offsets = [2047, 0], sizes = [1, 8], strides = [1, 1]} : vector<2048x8xf32> to vector<1x8xf32>
    %slice3A_74 = vector.extract_strided_slice %convert_element_type3A_66 {offsets = [2047, 0], sizes = [1, 8], strides = [1, 1]} : vector<2048x8xf32> to vector<1x8xf32>
    %add3A_75 = arith.addf %slice3A_73, %slice3A_74 : vector<1x8xf32>
    %add3A_76 = arith.constant 1.270000e+02 : f32
    %add3A_77 = vector.broadcast %add3A_76 : f32 to vector<1x8xf32>
    %add3A_78 = arith.addf %add3A_75, %add3A_77 : vector<1x8xf32>
    %mul3A_79 = arith.constant 7.812500e-03 : f32
    %mul3A_80 = vector.broadcast %mul3A_79 : f32 to vector<1x8xf32>
    %mul3A_81 = arith.mulf %add3A_78, %mul3A_80 : vector<1x8xf32>
    %floor3A = math.floor %mul3A_81 : vector<1x8xf32>
    %mul3A_82 = arith.constant 1.280000e+02 : f32
    %mul3A_83 = vector.broadcast %mul3A_82 : f32 to vector<1x8xf32>
    %mul3A_84 = arith.mulf %floor3A, %mul3A_83 : vector<1x8xf32>
    %iota3A_85 = tpu.iota {dimensions = array<i32: 0>} : vector<8x8xi32>
    %iota3A_86 = tpu.iota {dimensions = array<i32: 1>} : vector<8x8xi32>
    %lt3A = arith.cmpi slt, %iota3A_85, %iota3A_86 : vector<8x8xi32>
    %convert_element_type3A_87 = arith.extui %lt3A : vector<8x8xi1> to vector<8x8xi32>
    %convert_element_type3A_88 = arith.sitofp %convert_element_type3A_87 : vector<8x8xi32> to vector<8x8xf32>
    %reshape3A = vector.shape_cast %mul3A_84 : vector<1x8xf32> to vector<8x1xf32>
    %mul3A_89 = vector.broadcast %reshape3A : vector<8x1xf32> to vector<8x8xf32>
    %mul3A_90 = arith.mulf %mul3A_89, %convert_element_type3A_88 : vector<8x8xf32>
    %reduce_sum3A_91 = arith.constant dense<0.000000e+00> : vector<8xf32>
    %reduce_sum3A_92 = vector.multi_reduction <add>, %mul3A_90, %reduce_sum3A_91 [0] : vector<8x8xf32> to vector<8xf32>
    %reshape3A_93 = vector.shape_cast %reduce_sum3A_92 : vector<8xf32> to vector<1x8xf32>
    %add3A_94 = vector.broadcast %reshape3A_93 : vector<1x8xf32> to vector<2048x8xf32>
    %add3A_95 = arith.addf %add3A_94, %dot_general3A_72 : vector<2048x8xf32>
    %jit3A_96 = arith.constant 0.000000e+00 : f32
    %broadcast_in_dim3A_97 = vector.broadcast %jit3A_96 : f32 to vector<2048x8xf32>
    %select_n3A_98 = arith.select %eq3A_50, %add3A_95, %broadcast_in_dim3A_97 : vector<2048x8xi1>, vector<2048x8xf32>
    %reduce_sum3A_99 = arith.constant dense<0.000000e+00> : vector<2048xf32>
    %reduce_sum3A_100 = vector.multi_reduction <add>, %select_n3A_98, %reduce_sum3A_99 [1] : vector<2048x8xf32> to vector<2048xf32>
    %add3A_101 = vector.broadcast %reshape3A_93 : vector<1x8xf32> to vector<2048x8xf32>
    %add3A_102 = arith.addf %add3A_101, %dot_general3A_72 : vector<2048x8xf32>
    %jit3A_103 = arith.constant 0.000000e+00 : f32
    %broadcast_in_dim3A_104 = vector.broadcast %jit3A_103 : f32 to vector<2048x8xf32>
    %select_n3A_105 = arith.select %eq3A_57, %add3A_102, %broadcast_in_dim3A_104 : vector<2048x8xi1>, vector<2048x8xf32>
    %reduce_sum3A_106 = arith.constant dense<0.000000e+00> : vector<2048xf32>
    %reduce_sum3A_107 = vector.multi_reduction <add>, %select_n3A_105, %reduce_sum3A_106 [1] : vector<2048x8xf32> to vector<2048xf32>
    %add3A_108 = arith.constant 5.120000e+03 : f32
    %add3A_109 = vector.broadcast %add3A_108 : f32 to vector<2048xf32>
    %add3A_110 = arith.addf %reduce_sum3A_100, %add3A_109 : vector<2048xf32>
    %add3A_111 = arith.constant 5.120000e+03 : f32
    %add3A_112 = vector.broadcast %add3A_111 : f32 to vector<2048xf32>
    %add3A_113 = arith.addf %reduce_sum3A_107, %add3A_112 : vector<2048xf32>
    %concatenate3A = tpu.concatenate %reduce_sum3A_100, %reduce_sum3A_107, %add3A_110, %add3A_113 in 0 : vector<2048xf32>, vector<2048xf32>, vector<2048xf32>, vector<2048xf32> -> vector<8192xf32>
    %convert_element_type3A_114 = arith.fptosi %concatenate3A : vector<8192xf32> to vector<8192xi32>
    %reshape3A_115 = vector.shape_cast %convert_element_type3A_114 : vector<8192xi32> to vector<1x8192xi32>
    %swap3A_116 = arith.constant 0 : index
    %swap3A_117 = arith.constant 0 : index
    %swap3A_118 = vector.load %arg7[%swap3A_116, %swap3A_117] : memref<1x8192xi32, #tpu.memory_space<vmem>>, vector<1x8192xi32>
    tpu.vector_store %arg7[%swap3A_116, %swap3A_117], %reshape3A_115 {strides = array<i32>} : memref<1x8192xi32, #tpu.memory_space<vmem>>, vector<1x8192xi32>,
    %iota3A_119 = tpu.iota {dimensions = array<i32: 1>} : vector<8x40xi32>
    %convert_element_type3A_120 = arith.sitofp %iota3A_119 : vector<8x40xi32> to vector<8x40xf32>
    %mul3A_121 = arith.constant 1.280000e+02 : f32
    %mul3A_122 = vector.broadcast %mul3A_121 : f32 to vector<8x40xf32>
    %mul3A_123 = arith.mulf %convert_element_type3A_120, %mul3A_122 : vector<8x40xf32>
    %reshape3A_124 = vector.shape_cast %reshape3A_93 : vector<1x8xf32> to vector<8x1xf32>
    %reshape3A_125 = vector.shape_cast %mul3A_84 : vector<1x8xf32> to vector<8x1xf32>
    %add3A_126 = arith.addf %reshape3A_124, %reshape3A_125 : vector<8x1xf32>
    %ge3A = vector.broadcast %add3A_126 : vector<8x1xf32> to vector<8x40xf32>
    %ge3A_127 = arith.cmpf oge, %mul3A_123, %ge3A : vector<8x40xf32>
    %convert_element_type3A_128 = arith.extui %ge3A_127 : vector<8x40xi1> to vector<8x40xi32>
    %reduce_sum3A_129 = arith.constant dense<0> : vector<40xi32>
    %reduce_sum3A_130 = vector.multi_reduction <add>, %convert_element_type3A_128, %reduce_sum3A_129 [0] : vector<8x40xi32> to vector<40xi32>
    %ge3A_131 = vector.broadcast %reshape3A_124 : vector<8x1xf32> to vector<8x40xf32>
    %ge3A_132 = arith.cmpf oge, %mul3A_123, %ge3A_131 : vector<8x40xf32>
    %reshape3A_133 = vector.shape_cast %add3A_75 : vector<1x8xf32> to vector<8x1xf32>
    %add3A_134 = arith.addf %reshape3A_124, %reshape3A_133 : vector<8x1xf32>
    %lt3A_135 = vector.broadcast %add3A_134 : vector<8x1xf32> to vector<8x40xf32>
    %lt3A_136 = arith.cmpf olt, %mul3A_123, %lt3A_135 : vector<8x40xf32>
    %and3A = arith.andi %ge3A_132, %lt3A_136 : vector<8x40xi1>
    %convert_element_type3A_137 = arith.extui %and3A : vector<8x40xi1> to vector<8x40xi32>
    %reduce_sum3A_138 = arith.constant dense<0> : vector<40xi32>
    %reduce_sum3A_139 = vector.multi_reduction <add>, %convert_element_type3A_137, %reduce_sum3A_138 [0] : vector<8x40xi32> to vector<40xi32>
    %min3A = arith.constant 7 : i32
    %min3A_140 = vector.broadcast %min3A : i32 to vector<40xi32>
    %min3A_141 = arith.minsi %reduce_sum3A_130, %min3A_140 : vector<40xi32>
    %swap3A_142 = arith.constant 0 : index
    %swap3A_143 = vector.load %arg9[%swap3A_142] : memref<40xi32, #tpu.memory_space<vmem>>, vector<40xi32>
    tpu.vector_store %arg9[%swap3A_142], %min3A_141 {strides = array<i32>} : memref<40xi32, #tpu.memory_space<vmem>>, vector<40xi32>,
    %swap3A_144 = arith.constant 0 : index
    %swap3A_145 = vector.load %arg10[%swap3A_144] : memref<40xi32, #tpu.memory_space<vmem>>, vector<40xi32>
    tpu.vector_store %arg10[%swap3A_144], %reduce_sum3A_139 {strides = array<i32>} : memref<40xi32, #tpu.memory_space<vmem>>, vector<40xi32>,
    return
  }
  func.func @transform_0(%arg0: i32) -> (i32, i32) {
    %c0_i32 = arith.constant 0 : i32
    %c0_i32_0 = arith.constant 0 : i32
    %c0_i32_1 = arith.constant 0 : i32
    return %c0_i32, %c0_i32_0 : i32, i32
  }
  func.func @transform_1(%arg0: i32) -> (i32, i32) {
    %c0_i32 = arith.constant 0 : i32
    %c0_i32_0 = arith.constant 0 : i32
    %c0_i32_1 = arith.constant 0 : i32
    return %c0_i32, %c0_i32_0 : i32, i32
  }
  func.func @transform_2(%arg0: i32) -> i32 {
    %c0_i32 = arith.constant 0 : i32
    %c0_i32_0 = arith.constant 0 : i32
    return %c0_i32 : i32
  }
  func.func @transform_3(%arg0: i32) -> i32 {
    %c0_i32 = arith.constant 0 : i32
    %c0_i32_0 = arith.constant 0 : i32
    return %c0_i32 : i32
  }
  func.func @transform_4(%arg0: i32) -> (i32, i32) {
    %c0_i32 = arith.constant 0 : i32
    %c0_i32_0 = arith.constant 0 : i32
    %c0_i32_1 = arith.constant 0 : i32
    return %c0_i32, %c0_i32_0 : i32, i32
  }
  func.func @transform_5(%arg0: i32) -> (i32, i32) {
    %c0_i32 = arith.constant 0 : i32
    %c0_i32_0 = arith.constant 0 : i32
    %c0_i32_1 = arith.constant 0 : i32
    return %c0_i32, %c0_i32_0 : i32, i32
  }
  func.func @transform_6(%arg0: i32) -> (i32, i32) {
    %c0_i32 = arith.constant 0 : i32
    %c0_i32_0 = arith.constant 0 : i32
    %c0_i32_1 = arith.constant 0 : i32
    return %c0_i32, %c0_i32_0 : i32, i32
  }
  func.func @transform_7(%arg0: i32) -> (i32, i32) {
    %c0_i32 = arith.constant 0 : i32
    %c0_i32_0 = arith.constant 0 : i32
    %c0_i32_1 = arith.constant 0 : i32
    return %c0_i32, %c0_i32_0 : i32, i32
  }
  func.func @transform_8(%arg0: i32) -> i32 {
    %c0_i32 = arith.constant 0 : i32
    %c0_i32_0 = arith.constant 0 : i32
    return %c0_i32 : i32
  }
  func.func @transform_9(%arg0: i32) -> i32 {
    %c0_i32 = arith.constant 0 : i32
    %c0_i32_0 = arith.constant 0 : i32
    return %c0_i32 : i32
  }
}

module attributes {stable_mosaic.version = 14 : i64} {
  func.func @_combine_kernel(%arg0: i32, %arg1: memref<1024x768xf32, #tpu.memory_space<vmem>>, %arg2: memref<1024x384xf32, #tpu.memory_space<vmem>>, %arg3: memref<1024x384xf32, #tpu.memory_space<vmem>>, %arg4: memref<1024x384xf32, #tpu.memory_space<vmem>>, %arg5: memref<1024x384xf32, #tpu.memory_space<vmem>>, %arg6: memref<1024x2xf32, #tpu.memory_space<vmem>>, %arg7: memref<1024x768xf32, #tpu.memory_space<vmem>>) attributes {dimension_semantics = [#tpu.dimension_semantics<arbitrary>], iteration_bounds = array<i64: 2>, scalar_prefetch = 0 : i64, scratch_operands = 0 : i64, tpu.core_type = #tpu.core_type<tc>, window_params = [{transform_indices = @transform_0, window_bounds = array<i64: 1024, 768>}, {transform_indices = @transform_1, window_bounds = array<i64: 1024, 384>}, {transform_indices = @transform_2, window_bounds = array<i64: 1024, 384>}, {transform_indices = @transform_3, window_bounds = array<i64: 1024, 384>}, {transform_indices = @transform_4, window_bounds = array<i64: 1024, 384>}, {transform_indices = @transform_5, window_bounds = array<i64: 1024, 2>}, {transform_indices = @transform_6, window_bounds = array<i64: 1024, 768>}]} {
    %get3A = arith.constant 0 : index
    %get3A_0 = arith.constant 0 : index
    %get3A_1 = vector.load %arg6[%get3A, %get3A_0] : memref<1024x2xf32, #tpu.memory_space<vmem>>, vector<1024x2xf32>
    %slice3A = vector.extract_strided_slice %get3A_1 {offsets = [0, 0], sizes = [1024, 1], strides = [1, 1]} : vector<1024x2xf32> to vector<1024x1xf32>
    %slice3A_2 = vector.extract_strided_slice %get3A_1 {offsets = [0, 1], sizes = [1024, 1], strides = [1, 1]} : vector<1024x2xf32> to vector<1024x1xf32>
    %get3A_3 = arith.constant 0 : index
    %get3A_4 = arith.constant 0 : index
    %get3A_5 = vector.load %arg1[%get3A_3, %get3A_4] : memref<1024x768xf32, #tpu.memory_space<vmem>>, vector<1024x768xf32>
    %get3A_6 = arith.constant 0 : index
    %get3A_7 = arith.constant 0 : index
    %get3A_8 = vector.load %arg2[%get3A_6, %get3A_7] : memref<1024x384xf32, #tpu.memory_space<vmem>>, vector<1024x384xf32>
    %mul3A = vector.broadcast %slice3A : vector<1024x1xf32> to vector<1024x384xf32>
    %mul3A_9 = arith.mulf %mul3A, %get3A_8 : vector<1024x384xf32>
    %get3A_10 = arith.constant 0 : index
    %get3A_11 = arith.constant 0 : index
    %get3A_12 = vector.load %arg3[%get3A_10, %get3A_11] : memref<1024x384xf32, #tpu.memory_space<vmem>>, vector<1024x384xf32>
    %mul3A_13 = vector.broadcast %slice3A_2 : vector<1024x1xf32> to vector<1024x384xf32>
    %mul3A_14 = arith.mulf %mul3A_13, %get3A_12 : vector<1024x384xf32>
    %add3A = arith.addf %mul3A_9, %mul3A_14 : vector<1024x384xf32>
    %get3A_15 = arith.constant 0 : index
    %get3A_16 = arith.constant 0 : index
    %get3A_17 = vector.load %arg4[%get3A_15, %get3A_16] : memref<1024x384xf32, #tpu.memory_space<vmem>>, vector<1024x384xf32>
    %mul3A_18 = vector.broadcast %slice3A : vector<1024x1xf32> to vector<1024x384xf32>
    %mul3A_19 = arith.mulf %mul3A_18, %get3A_17 : vector<1024x384xf32>
    %get3A_20 = arith.constant 0 : index
    %get3A_21 = arith.constant 0 : index
    %get3A_22 = vector.load %arg5[%get3A_20, %get3A_21] : memref<1024x384xf32, #tpu.memory_space<vmem>>, vector<1024x384xf32>
    %mul3A_23 = vector.broadcast %slice3A_2 : vector<1024x1xf32> to vector<1024x384xf32>
    %mul3A_24 = arith.mulf %mul3A_23, %get3A_22 : vector<1024x384xf32>
    %add3A_25 = arith.addf %mul3A_19, %mul3A_24 : vector<1024x384xf32>
    %concatenate3A = tpu.concatenate %add3A, %add3A_25 in 1 : vector<1024x384xf32>, vector<1024x384xf32> -> vector<1024x768xf32>
    %add3A_26 = arith.addf %get3A_5, %concatenate3A : vector<1024x768xf32>
    %swap3A = arith.constant 0 : index
    %swap3A_27 = arith.constant 0 : index
    %swap3A_28 = vector.load %arg7[%swap3A, %swap3A_27] : memref<1024x768xf32, #tpu.memory_space<vmem>>, vector<1024x768xf32>
    tpu.vector_store %arg7[%swap3A, %swap3A_27], %add3A_26 {strides = array<i32>} : memref<1024x768xf32, #tpu.memory_space<vmem>>, vector<1024x768xf32>,
    return
  }
  func.func @transform_0(%arg0: i32) -> (i32, i32) {
    %c0_i32 = arith.constant 0 : i32
    %c0_i32_0 = arith.constant 0 : i32
    return %arg0, %c0_i32 : i32, i32
  }
  func.func @transform_1(%arg0: i32) -> (i32, i32) {
    %c0_i32 = arith.constant 0 : i32
    %c0_i32_0 = arith.constant 0 : i32
    return %arg0, %c0_i32 : i32, i32
  }
  func.func @transform_2(%arg0: i32) -> (i32, i32) {
    %add3A = arith.constant 2 : i32
    %add3A_0 = arith.addi %arg0, %add3A : i32
    %c0_i32 = arith.constant 0 : i32
    %c0_i32_1 = arith.constant 0 : i32
    return %add3A_0, %c0_i32 : i32, i32
  }
  func.func @transform_3(%arg0: i32) -> (i32, i32) {
    %add3A = arith.constant 4 : i32
    %add3A_0 = arith.addi %arg0, %add3A : i32
    %c0_i32 = arith.constant 0 : i32
    %c0_i32_1 = arith.constant 0 : i32
    return %add3A_0, %c0_i32 : i32, i32
  }
  func.func @transform_4(%arg0: i32) -> (i32, i32) {
    %add3A = arith.constant 6 : i32
    %add3A_0 = arith.addi %arg0, %add3A : i32
    %c0_i32 = arith.constant 0 : i32
    %c0_i32_1 = arith.constant 0 : i32
    return %add3A_0, %c0_i32 : i32, i32
  }
  func.func @transform_5(%arg0: i32) -> (i32, i32) {
    %c0_i32 = arith.constant 0 : i32
    %c0_i32_0 = arith.constant 0 : i32
    return %arg0, %c0_i32 : i32, i32
  }
  func.func @transform_6(%arg0: i32) -> (i32, i32) {
    %c0_i32 = arith.constant 0 : i32
    %c0_i32_0 = arith.constant 0 : i32
    return %arg0, %c0_i32 : i32, i32
  }
}

</mosaic_0001>

<sc_bundles>
// kernel: kernel.10.cloned.1.call-start
scs
__scs_entry_jumppad:
0x0: {  	(pc) =	sbr.rel $0x88, $3  }
0x1: {  	(tag) =	ssettag $0x0;
	lr =	simm.s32 $0x1  }
0x2: {  	[smem:$0x3F9B] =	sst lr;
	_ =	strace $0xD0000000  }
0x3: {  	_ = 	snop  }
0x4: {  	_ = 	snop  }
0x5: {  	_ = 	snop  }
0x6: {  	_ = 	snop  }
0x7: {  	_ = 	snop  }
__scs_overlays_trampoline_lowered:
0x8: {  	[smem:$0x3FAA] =	sst s0  }
0x9: {  	[smem:$0x3FAB] =	sst s1  }
0xa: {  	[smem:$0x3FAC] =	sst s2  }
0xb: {  	[smem:$0x3FAD] =	sst s3  }
0xc: {  	[smem:$0x3FAE] =	sst s4  }
0xd: {  	[smem:$0x3FAF] =	sst s5  }
0xe: {  	[smem:$0x3FB0] =	sst s6  }
0xf: {  	[smem:$0x3FB1] =	sst s7  }
0x10: {  	[smem:$0x3FB2] =	sst s8  }
0x11: {  	[smem:$0x3FB3] =	sst s9;
	s0 =	simm.s32 @!p0 $0x0  }
0x12: {  	s1 =	sld [smem:$0x3F99];
	s0 =	simm.s32 @p0 $0x1  }
0x13: {  	[smem:$0x3FB4] =	sst s0;
	s0 =	simm.s32 @!p1 $0x0  }
0x14: {  	s2 =	sld [smem:$0x3F98];
	s0 =	simm.s32 @p1 $0x1  }
0x15: {  	[smem:$0x3FB5] =	sst s0;
	s0 =	simm.s32 @!p2 $0x0  }
0x16: {  	s3 =	sld [smem:$0x3FDB];
	s0 =	simm.s32 @p2 $0x1  }
0x17: {  	s4 =	simm.s32 $0x1BF5;
	[smem:$0x3FB7] =	sst s0  }
0x18: {  	s0 =	sld [smem:$0x3F9A];
	_ =	swait.ge [sflag:s4], $0x0  }
0x19: {  	s7 =	sld [smem:$0x3F9B]  }
0x1a: {  	s8 =	sadd.s32 $0xFFFFE003, lr  }
0x1b: {  	s9 =	sadd.s32 $0xFFFFFEF7, lr;
	s5 =	simm.s32 $0xFFFFFFFF;
	p2 =	slt.u32 s8, $0xFFFFF086  }
0x1c: {  	p1 =	slt.u32 s9, $0xF7A;
	s5 =	simm.s32 @!p2 $0x0  }
0x1d: {  	s5 =	simm.s32 @p1 $0x1;
	p0 =	seq.s32 s7, s2  }
0x1e: {  	s7 =	smul.u32 @!p0 $0xF7A, s2;
	p2 =	seq.s32 @!p0 s5, $0x0  }
0x1f: {  	s9 =	smul.u32 $0xF7A, s1;
	s8 =	simm.s32 @!p0 $0x1BF5;
	p2 =	por !p2, p0  }
0x20: {  	[sflag:s8] =	ssyncset.s32 @!p0 $0xFFFFF086;
	s6 =	sadd.s32 @!p0 s3, s7;
	s7 =	simm.s32 @!p0 $0x108  }
0x21: {  	s3 =	sadd.s32 s3, s9;
	s6 =	sadd.s32 @!p0 $0x88, s6;
	s7 =	simm.s32 @p2 $0x1082  }
0x22: {  	[simem:s7], [sflag:s8] =	dma.local @!p0 [hbm:s6], $0xF7A  }
0x23: {  	s9 =	sor.u32 $0xD0000000, s2;
	s6 =	simm.s32 $0x108;
	_ =	swait.ge @!p0 [sflag:s8], $0x0  }
0x24: {  	s3 =	sadd.s32 $0x88, s3;
	s6 =	simm.s32 @!p1 $0x1082;
	[sflag:s4] =	ssyncset.s32 $0xFFFFF086  }
0x25: {  	[simem:s6], [sflag:s4] =	dma.local [hbm:s3], $0xF7A  }
0x26: {  	[smem:$0x3F9B] =	sst s1;
	(tag) =	ssettag s2;
	_ =	strace s9  }
0x27: {  	s1 =	sld [smem:$0x3FAB]  }
0x28: {  	s2 =	sld [smem:$0x3FAC]  }
0x29: {  	s4 =	sld [smem:$0x3FAE]  }
0x2a: {  	p0 =	seq.s32 s5, $0x0;
	s5 =	sld [smem:$0x3FAF]  }
0x2b: {  	s6 =	sld [smem:$0x3FB0]  }
0x2c: {  	s7 =	sld [smem:$0x3FB1]  }
0x2d: {  	s3 =	simm.s32 $0x108;
	s8 =	sld [smem:$0x3FB2]  }
0x2e: {  	s3 =	simm.s32 @!p0 $0x1082;
	s9 =	sld [smem:$0x3FB3]  }
0x2f: {  	lr =	sadd.s32 s0, s3;
	s0 =	sld [smem:$0x3FAA]  }
0x30: {  	s3 =	sld [smem:$0x3FAD]  }
0x31: {  	[smem:$0x3FB6] =	sst s10  }
0x32: {  	s10 =	sld [smem:$0x3FB4];
	_ =	sdelay $0x3  }
0x33: {  	p0 =	seq.s32 s10, $0x1;
	s10 =	sld [smem:$0x3FB6];
	_ =	sdelay $0x3  }
0x34: {  	[smem:$0x3FB6] =	sst s10  }
0x35: {  	s10 =	sld [smem:$0x3FB5];
	_ =	sdelay $0x3  }
0x36: {  	p1 =	seq.s32 s10, $0x1;
	s10 =	sld [smem:$0x3FB6];
	_ =	sdelay $0x3  }
0x37: {  	[smem:$0x3FB6] =	sst s10  }
0x38: {  	s10 =	sld [smem:$0x3FB7]  }
0x39: {  	_ = 	snop;
	(pc) =	sbr.ind lr, $3  }
0x3a: {  	_ = 	snop  }
0x3b: {  	_ = 	snop  }
0x3c: {  	p2 =	seq.s32 s10, $0x1;
	s10 =	sld [smem:$0x3FB6]  }
0x3d: {  	_ =	shalt  }
0x3e: {  	_ =	shalt  }
0x3f: {  	_ =	shalt  }
0x40: {  	_ =	shalt  }
0x41: {  	_ =	shalt  }
0x42: {  	_ =	shalt  }
0x43: {  	_ =	shalt  }
0x44: {  	_ =	shalt  }
0x45: {  	_ =	shalt  }
0x46: {  	_ =	shalt  }
0x47: {  	_ =	shalt  }
0x48: {  	_ =	shalt  }
0x49: {  	_ =	shalt  }
0x4a: {  	_ =	shalt  }
0x4b: {  	_ =	shalt  }
0x4c: {  	_ =	shalt  }
0x4d: {  	_ =	shalt  }
0x4e: {  	_ =	shalt  }
0x4f: {  	_ =	shalt  }
0x50: {  	_ =	shalt  }
0x51: {  	_ =	shalt  }
0x52: {  	_ =	shalt  }
0x53: {  	_ =	shalt  }
0x54: {  	_ =	shalt  }
0x55: {  	_ =	shalt  }
0x56: {  	_ =	shalt  }
0x57: {  	_ =	shalt  }
0x58: {  	_ =	shalt  }
0x59: {  	_ =	shalt  }
0x5a: {  	_ =	shalt  }
0x5b: {  	_ =	shalt  }
0x5c: {  	_ =	shalt  }
0x5d: {  	_ =	shalt  }
0x5e: {  	_ =	shalt  }
0x5f: {  	_ =	shalt  }
0x60: {  	_ =	shalt  }
0x61: {  	_ =	shalt  }
0x62: {  	_ =	shalt  }
0x63: {  	_ =	shalt  }
0x64: {  	_ =	shalt  }
0x65: {  	_ =	shalt  }
0x66: {  	_ =	shalt  }
0x67: {  	_ =	shalt  }
0x68: {  	_ =	shalt  }
0x69: {  	_ =	shalt  }
0x6a: {  	_ =	shalt  }
0x6b: {  	_ =	shalt  }
0x6c: {  	_ =	shalt  }
0x6d: {  	_ =	shalt  }
0x6e: {  	_ =	shalt  }
0x6f: {  	_ =	shalt  }
0x70: {  	_ =	shalt  }
0x71: {  	_ =	shalt  }
0x72: {  	_ =	shalt  }
0x73: {  	_ =	shalt  }
0x74: {  	_ =	shalt  }
0x75: {  	_ =	shalt  }
0x76: {  	_ =	shalt  }
0x77: {  	_ =	shalt  }
0x78: {  	_ =	shalt  }
0x79: {  	_ =	shalt  }
0x7a: {  	_ =	shalt  }
0x7b: {  	_ =	shalt  }
0x7c: {  	_ =	shalt  }
0x7d: {  	_ =	shalt  }
0x7e: {  	_ =	shalt  }
0x7f: {  	_ =	shalt  }
0x80: {  	_ =	shalt  }
0x81: {  	_ =	shalt  }
0x82: {  	_ =	shalt  }
0x83: {  	_ =	shalt  }
0x84: {  	_ =	shalt  }
0x85: {  	_ =	shalt  }
0x86: {  	_ =	shalt  }
0x87: {  	_ =	shalt  }
.Lfunc_end0:
.L_simem_size_0:
called_computation.1_lowered:
.L_overlay_start_0:
0x88: {  	s2 =	sld [smem:$0x3FD9]  }
0x89: {  	s3 =	sld [smem:$0x3FFE];
	_ =	sdelay $0x1  }
0x8a: {  	s1 =	srdreg.scid  }
0x8b: {  	s0 =	sand.u32 $0x1, s1  }
0x8c: {  	s16 =	sshll.u32 s0, $0xA;
	s2 =	sadd.s32 s3, s2  }
0x8d: {  	s2 =	sadd.s32 s2, s16  }
0x8e: {  	[smem:$0x3FC2] =	sst s2  }
0x8f: {  	_ = 	snop  }
0x90: {  	(tm) =	ssettm $0x1  }
0x91: {  	s17 =	sld [smem:$0x3FFB];
	_ =	sdelay $0x3  }
0x92: {  	_ =	strace s17  }
0x93: {  	s2 =	sld [smem:$0x3FFC];
	_ =	sdelay $0x3  }
0x94: {  	_ =	strace s2  }
0x95: {  	s2 =	sld [smem:$0x3FFD];
	_ =	sdelay $0x3  }
0x96: {  	_ =	strace s2  }
0x97: {  	_ =	strace $0x8FFFFFFF  }
0x98: {  	s18 =	sld [smem:$0x3FDB];
	_ =	sdelay $0x1  }
0x99: {  	s19 =	simm.s32 $_scs_section_size  }
0x9a: {  	s4 =	simm.s32 $_size__tile_overlayer_lowered;
	s5 =	simm.s32 $_tile_overlayer_lowered  }
0x9b: {  	s22 =	simm.s32 $0x1BFF;
	s21 =	sshll.u32 s5, $0x1;
	s2 =	sadd.s32 s19, s18  }
0x9c: {  	s6 =	simm.s32 $0x0;
	s20 =	sshll.u32 s4, $0x1;
	s4 =	sadd.s32 s21, s2  }
0x9d: {  	[timem:s6], [sflag:s22] =	dma.local [hbm:s4], s20  }
0x9e: {  	_ =	swait.ge [sflag:s22], s20  }
0x9f: {  	s3 =	ssub.s32 $0x0, s20;
	[sflag:s22] =	ssyncset.done $0x0  }
0xa0: {  	[sflag:s22] =	ssyncadd.s32 s3;
	_ =	sdelay $0x1  }
0xa1: {  	s23 =	simm.s32 $0x1B8B  }
0xa2: {  	_ =	swait.ge [sflag:s23], $0x1  }
0xa3: {  	[sflag:s23] =	ssyncset.done $0x0  }
0xa4: {  	s25 =	simm.s32 $0x1B8E;
	s24 =	sld [smem:$0x3FFE];
	[sflag:s23] =	ssyncadd.s32 $0xFFFFFFFF  }
0xa5: {  	s26 =	simm.s32 $execute0_lowered;
	[smem:$0x3FD2] =	sst s25  }
0xa6: {  	s4 =	sshll.u32 s26, $0x1;
	_ =	strace $0x8000004F;
	[dreg:$0x1] =	wrdreg $0xFFFFFFFF  }
0xa7: {  	s28 =	simm.s32 $_size_execute0_lowered;
	s2 =	sadd.s32 s2, s4;
	[dreg:$0x0] =	wrdreg $0x0  }
0xa8: {  	s4 =	sshll.u32 s28, $0x1;
	[dreg:$0x2] =	wrdreg s2  }
0xa9: {  	[dreg:$0x3] =	wrdreg s4  }
0xaa: {  	[dreg:$0x4] =	wrdreg $0xC0  }
0xab: {  	_ =	task [dreg:s6], $0x5FFFF  }
0xac: {  	[dreg:$0x1] =	wrdreg $0xFFFFFFFF  }
0xad: {  	[dreg:$0x0] =	wrdreg $0x60  }
0xae: {  	[dreg:$0x2] =	wrdreg s24  }
0xaf: {  	[dreg:$0x3] =	wrdreg $0x9  }
0xb0: {  	_ =	task.clear_ibuf [dreg:s6], $0x4FFFF;
	_ =	strace $0x9000004F  }
0xb1: {  	s29 =	simm.s32 $0x9;
	_ =	strace $0x80000058  }
0xb2: {  	_ =	swait.ge [sflag:s29], $0x1  }
0xb3: {  	[sflag:s29] =	ssyncadd.s32 $0xFFFFFFFF  }
0xb4: {  	_ =	strace $0x90000058  }
0xb5: {  	_ =	sfence  }
0xb6: {  	s30 =	sld [smem:$0x0];
	_ =	sdelay $0x2  }
0xb7: {  	s31 =	sshll.u32 s1, $0xD;
	s1 =	sshrl.u32 s1, $0x2  }
0xb8: {  	s3 =	sand.u32 $0x4000, s31;
	s1 =	sadd.s32 s1, s30  }
0xb9: {  	s0 =	sor.u32 s3, s0;
	s1 =	sshll.u32 s1, $0x11  }
0xba: {  	s0 =	sor.u32 s1, s0  }
0xbb: {  	s0 =	sadd.s32 $0x8F2B, s0  }
0xbc: {  	[sflag:s0] =	ssyncadd.remote.s32 $0x1  }
0xbd: {  	_ =	sfence.sel $0xFFFF  }
0xbe: {  	[dreg:$0x0] =	wrdreg $0xFFFFFFFF;
	(pc) =	sbr.abs _section_cstart, $3  }
0xbf: {  	[dreg:$0x1] =	wrdreg $0xFFFFFFFF  }
0xc0: {  	_ =	task.clear_ibuf [dreg:s6], $0x2FFFF;
	_ =	strace $0x9FFFFFFF  }
0xc1: {  	(tm) =	ssettm $0x7FFFFFFF  }
tec
execute0_lowered:
.L_overlay_start_1:
0x0: {  	(tag) =	ssettag $0x1  }
0x1: {  	s8 =	rddreg [dreg:$0x0]  }
0x2: {  	s0 =	rddreg [dreg:$0x1];
	s1 =	simm.s32 $0x0;
	s2 =	srdreg.scid  }
0x3: {  	s10 =	simm.s32 $0x5;
	s11 =	simm.s32 $0x4;
	s12 =	simm.s32 $0x0  }
0x4: {  	[smem:$0x7FF] =	sst s1;
	s3 =	sadd.s32 $0x2200, s8;
	s4 =	sadd.s32 $0x1E00, s8  }
.Ltmp0:
0x5: {  	s5 =	sand.u32 $0x1, s2;
	s2 =	stileid.u32;
	(pc) =	sbr.rel .LBB2_1-.Ltmp0, $4  }
0x6: {  	_ =	strace $0x80000050;
	s6 =	ssub.s32 $0x2, s5;
	s7 =	sshll.u32 s5, $0x4  }
0x7: {  	v2 =	vlaneseq.u32;
	s5 =	sadd.s32 $0x7A200, s8;
	s9 =	sshrl.u32 s6, $0x1;
	s7 =	sor.u32 s2, s7  }
0x8: {  	vm0 =	vmmov $0xffff;
	vm1 =	vmmov $0xff;
	v1 =	vshrl.u32 v2, $0x3;
	s9 =	ssub.s32 s6, s9;
	s6 =	sshll.u32 s7, $0x1;
	s7 =	sshll.u32 s7, $0x5  }
0x9: {  	v0 =	vand.u32 $0x7, v2;
	v2 =	vor.u32 $0x8, v2;
	s8 =	sadd.s32 $0x2300, s8;
	v1 =	vmul.u32 $0x8, v1;
	s7 =	sadd.s32 s4, s7;
	s9 =	smax.u32 s9, $0x1  }
.LBB2_4:
0xa: {  	s13 =	sand.u32 $0x1, s13  }
0xb: {  	_ =	strace $0x80000056;
	s13 =	sadd.s32 $0x3, s13  }
0xc: {  	_ =	swait.ge [sflag:s13], $0xC000  }
0xd: {  	[sflag:s13] =	ssyncset.done $0x0  }
0xe: {  	s12 =	sadd.s32 $0x1, s12;
	[sflag:s13] =	ssyncadd.s32 $0xFFFF4000  }
0xf: {  	p0 =	sne.s32 s12, s9;
	_ =	strace $0x90000056  }
.Ltmp1:
0x10: {  	_ =	strace $0x80000057;
	(pc) =	sbr.rel @!p0 .LBB2_5-.Ltmp1, $4  }
0x11: {  	_ =	swait.ge [sflag:s11], $0xC000  }
0x12: {  	[sflag:s11] =	ssyncset.done $0x0  }
0x13: {  	[sflag:s11] =	ssyncadd.s32 $0xFFFF4000  }
0x14: {  	_ =	strace $0x90000057  }
.LBB2_1:
0x15: {  	_ =	strace $0x80000051  }
0x16: {  	p0 =	por $0x1, $0x1;
	p2 =	por $0x0, $0x0;
	s14 =	simm.s32 $0x0  }
0x17: {  	s13 =	simm.s32 $0x0;
	s18 =	simm.s32 $0x0;
	s15 =	simm.s32 $0x0  }
0x18: {  	[tilespmem:s1], [sflag:$0x1] =	stream.linear.gather [hbm4b:s7+s1], $0x80, $0x200038;
	[tilespmem:$0x18100] =	vst v63  }
0x19: {  	s16 =	simm.s32 $0x1;
	s17 =	simm.s32 $0x0;
	_ =	strace $0x90000051  }
.LBB2_2:
0x1a: {  	s19 =	smov.u32 s14;
	s14 =	sadd.s32 $0x1, s14  }
0x1b: {  	p1 =	seq.s32 s14, $0x2  }
0x1c: {  	s14 =	simm.s32 @p1 $0x0  }
0x1d: {  	p1 =	sne.s32 s19, s14  }
0x1e: {  	p1 =	por !p0, !p1  }
0x1f: {  	p1 =	por !p1, !p1  }
0x20: {  	s20 =	sadd.s32 @p1 s6, s14  }
0x21: {  	s21 =	sand.u32 @p1 $0x1, s16;
	s20 =	sshll.u32 @p1 s20, $0x4  }
0x22: {  	_ =	strace @p1 $0x80000052;
	s23 =	simm.s32 @p1 $0x0;
	s20 =	sand.u32 @p1 $0x1FFFFFF0, s20  }
0x23: {  	s22 =	sshll.u32 @p1 s21, $0x7;
	s21 =	sadd.s32 @p1 $0x1, s21;
	s20 =	sadd.s32 @p1 s4, s20  }
0x24: {  	[tilespmem:s22], [sflag:s21] =	stream.linear.gather @p1 [hbm4b:s20+s23], $0x80, $0x200038;
	[tilespmem:$0x18100] =	vst v63  }
0x25: {  	s23 =	sand.u32 $0x1, s15;
	_ =	strace @p1 $0x90000052  }
0x26: {  	s20 =	sadd.s32 $0x1, s23;
	_ =	strace $0x80000053  }
0x27: {  	_ =	swait.ge [sflag:s20], $0x80  }
0x28: {  	[sflag:s20] =	ssyncset.done $0x0  }
0x29: {  	[sflag:s20] =	ssyncadd.s32 $0xFFFFFF80  }
0x2a: {  	s24 =	sshll.u32 s15, $0x7;
	_ =	strace $0x90000053  }
0x2b: {  	s23 =	sand.u32 $0x80, s24;
	_ =	strace $0x80000054  }
0x2c: {  	v3 =	vld [tilespmem:s23+$0x0];
	_ =	sdelay $0x4  }
0x2d: {  	v4 =	vshrl.u32 v3, $0x3  }
0x2e: {  	v4 =	vmul.u32 $0x18, v4  }
0x2f: {  	v3 =	vand.u32 $0x7, v3  }
0x30: {  	v3 =	vor.u32 v3, v4  }
0x31: {  	v4 =	vperm.xlane v3, v0;
	_ =	sdelay $0x1  }
0x32: {  	s20 =	sand.u32 $0x1, s18;
	v4 =	vadd.s32 v1, v4  }
0x33: {  	s25 =	smul.u32 $0x30000, s20  }
0x34: {  	v3 =	vperm.xlane v3, v2  }
0x35: {  	s22 =	sshrl.u32 s25, $0x2  }
0x36: {  	s21 =	sor.u32 $0x100, s22;
	v3 =	vadd.s32 v1, v3  }
0x37: {  	[tilespmem:s21], [sflag:$0x5] =	stream.indirect_vreg.gather [hbm4b:s3+s1], $0x80, v4, vm0, $0x2000b8;
	[tilespmem:$0x18100] =	vst v63  }
0x38: {  	s24 =	sor.u32 $0x900, s22  }
0x39: {  	[tilespmem:s24], [sflag:$0x5] =	stream.indirect_vreg.gather [hbm4b:s8+s1], $0x80, v4, vm1, $0x2000b8;
	[tilespmem:$0x18100] =	vst v63  }
0x3a: {  	s26 =	sor.u32 $0xD00, s22  }
0x3b: {  	[tilespmem:s26], [sflag:$0x5] =	stream.indirect_vreg.gather [hbm4b:s3+s1], $0x80, v3, vm0, $0x2000b8;
	[tilespmem:$0x18100] =	vst v63  }
0x3c: {  	s28 =	sor.u32 $0x1500, s22  }
0x3d: {  	[tilespmem:s28], [sflag:$0x5] =	stream.indirect_vreg.gather [hbm4b:s8+s1], $0x80, v3, vm1, $0x2000b8;
	[tilespmem:$0x18100] =	vst v63  }
0x3e: {  	v3 =	vld [tilespmem:s23+$0x10];
	_ =	sdelay $0x4  }
0x3f: {  	v57 =	vshrl.u32 v3, $0x3  }
0x40: {  	v4 =	vmul.u32 $0x18, v57  }
0x41: {  	v3 =	vand.u32 $0x7, v3  }
0x42: {  	v3 =	vor.u32 v3, v4  }
0x43: {  	v4 =	vperm.xlane v3, v0;
	_ =	sdelay $0x1  }
0x44: {  	v4 =	vadd.s32 v1, v4;
	_ =	sdelay $0x1  }
0x45: {  	v3 =	vperm.xlane v3, v2;
	_ =	sdelay $0x1  }
0x46: {  	s29 =	sor.u32 $0x1900, s22;
	v3 =	vadd.s32 v1, v3  }
0x47: {  	[tilespmem:s29], [sflag:$0x5] =	stream.indirect_vreg.gather [hbm4b:s3+s1], $0x80, v4, vm0, $0x2000b8;
	[tilespmem:$0x18100] =	vst v63  }
0x48: {  	s30 =	sor.u32 $0x2100, s22  }
0x49: {  	[tilespmem:s30], [sflag:$0x5] =	stream.indirect_vreg.gather [hbm4b:s8+s1], $0x80, v4, vm1, $0x2000b8;
	[tilespmem:$0x18100] =	vst v63  }
0x4a: {  	s31 =	sor.u32 $0x2500, s22  }
0x4b: {  	[tilespmem:s31], [sflag:$0x5] =	stream.indirect_vreg.gather [hbm4b:s3+s1], $0x80, v3, vm0, $0x2000b8;
	[tilespmem:$0x18100] =	vst v63  }
0x4c: {  	s25 =	sor.u32 $0x2D00, s22  }
0x4d: {  	[tilespmem:s25], [sflag:$0x5] =	stream.indirect_vreg.gather [hbm4b:s8+s1], $0x80, v3, vm1, $0x2000b8;
	[tilespmem:$0x18100] =	vst v63  }
0x4e: {  	v3 =	vld [tilespmem:s23+$0x20];
	_ =	sdelay $0x4  }
0x4f: {  	v58 =	vshrl.u32 v3, $0x3  }
0x50: {  	v4 =	vmul.u32 $0x18, v58  }
0x51: {  	v3 =	vand.u32 $0x7, v3  }
0x52: {  	v3 =	vor.u32 v3, v4  }
0x53: {  	v4 =	vperm.xlane v3, v0;
	_ =	sdelay $0x1  }
0x54: {  	v4 =	vadd.s32 v1, v4;
	_ =	sdelay $0x1  }
0x55: {  	v3 =	vperm.xlane v3, v2;
	_ =	sdelay $0x1  }
0x56: {  	s26 =	sor.u32 $0x3100, s22;
	v3 =	vadd.s32 v1, v3  }
0x57: {  	[tilespmem:s26], [sflag:$0x5] =	stream.indirect_vreg.gather [hbm4b:s3+s1], $0x80, v4, vm0, $0x2000b8;
	[tilespmem:$0x18100] =	vst v63  }
0x58: {  	s28 =	sor.u32 $0x3900, s22  }
0x59: {  	[tilespmem:s28], [sflag:$0x5] =	stream.indirect_vreg.gather [hbm4b:s8+s1], $0x80, v4, vm1, $0x2000b8;
	[tilespmem:$0x18100] =	vst v63  }
0x5a: {  	s29 =	sor.u32 $0x3D00, s22  }
0x5b: {  	[tilespmem:s29], [sflag:$0x5] =	stream.indirect_vreg.gather [hbm4b:s3+s1], $0x80, v3, vm0, $0x2000b8;
	[tilespmem:$0x18100] =	vst v63  }
0x5c: {  	s30 =	sadd.s32 $0x4500, s22  }
0x5d: {  	[tilespmem:s30], [sflag:$0x5] =	stream.indirect_vreg.gather [hbm4b:s8+s1], $0x80, v3, vm1, $0x2000b8;
	[tilespmem:$0x18100] =	vst v63  }
0x5e: {  	v3 =	vld [tilespmem:s23+$0x30];
	_ =	sdelay $0x4  }
0x5f: {  	v59 =	vshrl.u32 v3, $0x3  }
0x60: {  	v4 =	vmul.u32 $0x18, v59  }
0x61: {  	v3 =	vand.u32 $0x7, v3  }
0x62: {  	v3 =	vor.u32 v3, v4  }
0x63: {  	v4 =	vperm.xlane v3, v0;
	_ =	sdelay $0x1  }
0x64: {  	v4 =	vadd.s32 v1, v4;
	_ =	sdelay $0x1  }
0x65: {  	v3 =	vperm.xlane v3, v2;
	_ =	sdelay $0x1  }
0x66: {  	s31 =	sadd.s32 $0x4900, s22;
	v3 =	vadd.s32 v1, v3  }
0x67: {  	[tilespmem:s31], [sflag:$0x5] =	stream.indirect_vreg.gather [hbm4b:s3+s1], $0x80, v4, vm0, $0x2000b8;
	[tilespmem:$0x18100] =	vst v63  }
0x68: {  	s25 =	sadd.s32 $0x5100, s22  }
0x69: {  	[tilespmem:s25], [sflag:$0x5] =	stream.indirect_vreg.gather [hbm4b:s8+s1], $0x80, v4, vm1, $0x2000b8;
	[tilespmem:$0x18100] =	vst v63  }
0x6a: {  	s26 =	sadd.s32 $0x5500, s22  }
0x6b: {  	[tilespmem:s26], [sflag:$0x5] =	stream.indirect_vreg.gather [hbm4b:s3+s1], $0x80, v3, vm0, $0x2000b8;
	[tilespmem:$0x18100] =	vst v63  }
0x6c: {  	s28 =	sadd.s32 $0x5D00, s22  }
0x6d: {  	[tilespmem:s28], [sflag:$0x5] =	stream.indirect_vreg.gather [hbm4b:s8+s1], $0x80, v3, vm1, $0x2000b8;
	[tilespmem:$0x18100] =	vst v63  }
0x6e: {  	v3 =	vld [tilespmem:s23+$0x40];
	_ =	sdelay $0x4  }
0x6f: {  	v60 =	vshrl.u32 v3, $0x3  }
0x70: {  	v4 =	vmul.u32 $0x18, v60  }
0x71: {  	v3 =	vand.u32 $0x7, v3  }
0x72: {  	v3 =	vor.u32 v3, v4  }
0x73: {  	v4 =	vperm.xlane v3, v0;
	_ =	sdelay $0x1  }
0x74: {  	v4 =	vadd.s32 v1, v4;
	_ =	sdelay $0x1  }
0x75: {  	v3 =	vperm.xlane v3, v2;
	_ =	sdelay $0x1  }
0x76: {  	s29 =	sadd.s32 $0x6100, s22;
	v3 =	vadd.s32 v1, v3  }
0x77: {  	[tilespmem:s29], [sflag:$0x5] =	stream.indirect_vreg.gather [hbm4b:s3+s1], $0x80, v4, vm0, $0x2000b8;
	[tilespmem:$0x18100] =	vst v63  }
0x78: {  	s30 =	sadd.s32 $0x6900, s22  }
0x79: {  	[tilespmem:s30], [sflag:$0x5] =	stream.indirect_vreg.gather [hbm4b:s8+s1], $0x80, v4, vm1, $0x2000b8;
	[tilespmem:$0x18100] =	vst v63  }
0x7a: {  	s31 =	sadd.s32 $0x6D00, s22  }
0x7b: {  	[tilespmem:s31], [sflag:$0x5] =	stream.indirect_vreg.gather [hbm4b:s3+s1], $0x80, v3, vm0, $0x2000b8;
	[tilespmem:$0x18100] =	vst v63  }
0x7c: {  	s25 =	sadd.s32 $0x7500, s22  }
0x7d: {  	[tilespmem:s25], [sflag:$0x5] =	stream.indirect_vreg.gather [hbm4b:s8+s1], $0x80, v3, vm1, $0x2000b8;
	[tilespmem:$0x18100] =	vst v63  }
0x7e: {  	v3 =	vld [tilespmem:s23+$0x50];
	_ =	sdelay $0x4  }
0x7f: {  	v61 =	vshrl.u32 v3, $0x3  }
0x80: {  	v4 =	vmul.u32 $0x18, v61  }
0x81: {  	v3 =	vand.u32 $0x7, v3  }
0x82: {  	v3 =	vor.u32 v3, v4  }
0x83: {  	v4 =	vperm.xlane v3, v0;
	_ =	sdelay $0x1  }
0x84: {  	v4 =	vadd.s32 v1, v4;
	_ =	sdelay $0x1  }
0x85: {  	v3 =	vperm.xlane v3, v2;
	_ =	sdelay $0x1  }
0x86: {  	s26 =	sadd.s32 $0x7900, s22;
	v3 =	vadd.s32 v1, v3  }
0x87: {  	[tilespmem:s26], [sflag:$0x5] =	stream.indirect_vreg.gather [hbm4b:s3+s1], $0x80, v4, vm0, $0x2000b8;
	[tilespmem:$0x18100] =	vst v63  }
0x88: {  	s28 =	sadd.s32 $0x8100, s22  }
0x89: {  	[tilespmem:s28], [sflag:$0x5] =	stream.indirect_vreg.gather [hbm4b:s8+s1], $0x80, v4, vm1, $0x2000b8;
	[tilespmem:$0x18100] =	vst v63  }
0x8a: {  	s29 =	sadd.s32 $0x8500, s22  }
0x8b: {  	[tilespmem:s29], [sflag:$0x5] =	stream.indirect_vreg.gather [hbm4b:s3+s1], $0x80, v3, vm0, $0x2000b8;
	[tilespmem:$0x18100] =	vst v63  }
0x8c: {  	s30 =	sadd.s32 $0x8D00, s22  }
0x8d: {  	[tilespmem:s30], [sflag:$0x5] =	stream.indirect_vreg.gather [hbm4b:s8+s1], $0x80, v3, vm1, $0x2000b8;
	[tilespmem:$0x18100] =	vst v63  }
0x8e: {  	v3 =	vld [tilespmem:s23+$0x60];
	_ =	sdelay $0x4  }
0x8f: {  	v62 =	vshrl.u32 v3, $0x3  }
0x90: {  	v4 =	vmul.u32 $0x18, v62  }
0x91: {  	v3 =	vand.u32 $0x7, v3  }
0x92: {  	v3 =	vor.u32 v3, v4  }
0x93: {  	v4 =	vperm.xlane v3, v0;
	_ =	sdelay $0x1  }
0x94: {  	v4 =	vadd.s32 v1, v4;
	_ =	sdelay $0x1  }
0x95: {  	v3 =	vperm.xlane v3, v2;
	_ =	sdelay $0x1  }
0x96: {  	s31 =	sadd.s32 $0x9100, s22;
	v3 =	vadd.s32 v1, v3  }
0x97: {  	[tilespmem:s31], [sflag:$0x5] =	stream.indirect_vreg.gather [hbm4b:s3+s1], $0x80, v4, vm0, $0x2000b8;
	[tilespmem:$0x18100] =	vst v63  }
0x98: {  	s25 =	sadd.s32 $0x9900, s22  }
0x99: {  	[tilespmem:s25], [sflag:$0x5] =	stream.indirect_vreg.gather [hbm4b:s8+s1], $0x80, v4, vm1, $0x2000b8;
	[tilespmem:$0x18100] =	vst v63  }
0x9a: {  	s26 =	sadd.s32 $0x9D00, s22  }
0x9b: {  	[tilespmem:s26], [sflag:$0x5] =	stream.indirect_vreg.gather [hbm4b:s3+s1], $0x80, v3, vm0, $0x2000b8;
	[tilespmem:$0x18100] =	vst v63  }
0x9c: {  	s28 =	sadd.s32 $0xA500, s22  }
0x9d: {  	[tilespmem:s28], [sflag:$0x5] =	stream.indirect_vreg.gather [hbm4b:s8+s1], $0x80, v3, vm1, $0x2000b8;
	[tilespmem:$0x18100] =	vst v63  }
0x9e: {  	v3 =	vld [tilespmem:s23+$0x70];
	_ =	sdelay $0x4  }
0x9f: {  	v63 =	vshrl.u32 v3, $0x3  }
0xa0: {  	v4 =	vmul.u32 $0x18, v63  }
0xa1: {  	v3 =	vand.u32 $0x7, v3  }
0xa2: {  	v3 =	vor.u32 v3, v4  }
0xa3: {  	v4 =	vperm.xlane v3, v0;
	_ =	sdelay $0x1  }
0xa4: {  	v4 =	vadd.s32 v1, v4;
	_ =	sdelay $0x1  }
0xa5: {  	v3 =	vperm.xlane v3, v2;
	_ =	sdelay $0x1  }
0xa6: {  	s29 =	sadd.s32 $0xA900, s22;
	v3 =	vadd.s32 v1, v3  }
0xa7: {  	[tilespmem:s29], [sflag:$0x5] =	stream.indirect_vreg.gather [hbm4b:s3+s1], $0x80, v4, vm0, $0x2000b8;
	[tilespmem:$0x18100] =	vst v63  }
0xa8: {  	s30 =	sadd.s32 $0xB100, s22  }
0xa9: {  	[tilespmem:s30], [sflag:$0x5] =	stream.indirect_vreg.gather [hbm4b:s8+s1], $0x80, v4, vm1, $0x2000b8;
	[tilespmem:$0x18100] =	vst v63  }
0xaa: {  	p2 =	por !p2, !p2;
	p3 =	seq.s32 s19, s14;
	s31 =	sadd.s32 $0xB500, s22  }
0xab: {  	[tilespmem:s31], [sflag:$0x5] =	stream.indirect_vreg.gather [hbm4b:s3+s1], $0x80, v3, vm0, $0x2000b8;
	[tilespmem:$0x18100] =	vst v63  }
0xac: {  	p2 =	por !p2, !p3;
	s22 =	sadd.s32 $0xBD00, s22  }
0xad: {  	[tilespmem:s22], [sflag:$0x5] =	stream.indirect_vreg.gather [hbm4b:s8+s1], $0x80, v3, vm1, $0x2000b8;
	[tilespmem:$0x18100] =	vst v63  }
0xae: {  	s19 =	sadd.s32 s6, s19;
	p2 =	por !p2, !p2;
	_ =	swait.ge [sflag:s10], $0xC000  }
0xaf: {  	s19 =	smul.u32 @!p2 $0x1800, s19;
	p0 =	por p2, p0;
	[sflag:s10] =	ssyncset.done $0x0  }
.Ltmp2:
0xb0: {  	[sflag:s10] =	ssyncadd.s32 $0xFFFF4000;
	(pc) =	sbr.rel @!p0 .LBB2_4-.Ltmp2, $4  }
0xb1: {  	s19 =	sadd.s32 @!p2 s5, s19;
	_ =	strace $0x90000054  }
0xb2: {  	s20 =	sadd.s32 @!p2 $0x3, s20;
	s22 =	simm.s32 @!p2 $0x0;
	_ =	strace @!p2 $0x80000055  }
0xb3: {  	[hbm4b:s19+s22] =	stream.linear.scatter @!p2 [tilespmem:s21], [sflag:s20], $0xC000, $0x200038;
	[tilespmem:$0x18100] =	vst v63  }
0xb4: {  	_ =	strace @!p2 $0x90000055  }
.Ltmp3:
0xb5: {  	s19 =	simm.s32 $0x1;
	(pc) =	sbr.rel .LBB2_2-.Ltmp3, $4  }
0xb6: {  	s20 =	simm.s32 @!p2 $0x1;
	s13 =	sadd.s32 s17, s13;
	s19 =	simm.s32 @!p1 $0x0  }
0xb7: {  	s17 =	simm.s32 $0x1;
	s16 =	sadd.s32 s19, s16;
	s19 =	sadd.s32 @!p2 $0x1, s18  }
0xb8: {  	p0 =	por $0x0, $0x0;
	s20 =	simm.s32 @p2 $0x0;
	s19 =	smov.u32 @p2 s18  }
0xb9: {  	s15 =	sadd.s32 s15, s20;
	p2 =	por $0x1, $0x1;
	s18 =	smov.u32 s19  }
.LBB2_5:
0xba: {  	_ =	sfence.sel $0x180000  }
0xbb: {  	[bflag:$0x0] =	sbarrier.arrive $0xFFFF  }
0xbc: {  	p0 =	sne.s32 s2, $0x0;
	_ =	strace $0x90000050  }
0xbd: {  	s0 =	sadd.s32 @!p0 $0x100000, s0;
	[bflag:$0x2] =	sbarrier.arrive $0xFFFF  }
0xbe: {  	[sflag:s0] =	ssyncadd.tile.s32 @!p0 $0x1;
	_ =	shalt  }
.Lfunc_end2:
_tile_overlayer_lowered:
.L_overlay_start_2:
0xbf: {  	(tag) =	ssettag $0x2  }
0xc0: {  	s0 =	rddreg [dreg:$0x0];
	s2 =	stileid.u32  }
0xc1: {  	s1 =	rddreg [dreg:$0x1];
	p0 =	sne.s32 s2, $0x0  }
0xc2: {  	s3 =	rddreg [dreg:$0x2];
	[bflag:$0x3] =	sbarrier.arrive $0xFFFF;
	s2 =	simm.s32 @!p0 $0x1C01  }
0xc3: {  	[timem:s3], [sflag:s2] =	dma.local @!p0 [hbm:s0], s1  }
0xc4: {  	s0 =	simm.s32 @!p0 $0x1  }
0xc5: {  	_ =	swait.ge @!p0 [sflag:s0], s1  }
0xc6: {  	s1 =	ssub.s32 @!p0 $0x0, s1;
	[sflag:s0] =	ssyncset.done @!p0 $0x0  }
0xc7: {  	[sflag:s0] =	ssyncadd.s32 @!p0 s1  }
0xc8: {  	[bflag:$0x3] =	sbarrier.arrive $0xFFFF  }
0xc9: {  	_ =	shalt  }

// kernel: kernel.7.cloned.1.call-start
scs
__scs_entry_jumppad:
0x0: {  	(pc) =	sbr.rel $0x88, $3  }
0x1: {  	(tag) =	ssettag $0x0;
	lr =	simm.s32 $0x1  }
0x2: {  	[smem:$0x3F9B] =	sst lr;
	_ =	strace $0xD0000000  }
0x3: {  	_ = 	snop  }
0x4: {  	_ = 	snop  }
0x5: {  	_ = 	snop  }
0x6: {  	_ = 	snop  }
0x7: {  	_ = 	snop  }
__scs_overlays_trampoline_lowered:
0x8: {  	[smem:$0x3FAA] =	sst s0  }
0x9: {  	[smem:$0x3FAB] =	sst s1  }
0xa: {  	[smem:$0x3FAC] =	sst s2  }
0xb: {  	[smem:$0x3FAD] =	sst s3  }
0xc: {  	[smem:$0x3FAE] =	sst s4  }
0xd: {  	[smem:$0x3FAF] =	sst s5  }
0xe: {  	[smem:$0x3FB0] =	sst s6  }
0xf: {  	[smem:$0x3FB1] =	sst s7  }
0x10: {  	[smem:$0x3FB2] =	sst s8  }
0x11: {  	[smem:$0x3FB3] =	sst s9;
	s0 =	simm.s32 @!p0 $0x0  }
0x12: {  	s1 =	sld [smem:$0x3F99];
	s0 =	simm.s32 @p0 $0x1  }
0x13: {  	[smem:$0x3FB4] =	sst s0;
	s0 =	simm.s32 @!p1 $0x0  }
0x14: {  	s2 =	sld [smem:$0x3F98];
	s0 =	simm.s32 @p1 $0x1  }
0x15: {  	[smem:$0x3FB5] =	sst s0;
	s0 =	simm.s32 @!p2 $0x0  }
0x16: {  	s3 =	sld [smem:$0x3FDB];
	s0 =	simm.s32 @p2 $0x1  }
0x17: {  	s4 =	simm.s32 $0x1BF5;
	[smem:$0x3FB7] =	sst s0  }
0x18: {  	s0 =	sld [smem:$0x3F9A];
	_ =	swait.ge [sflag:s4], $0x0  }
0x19: {  	s7 =	sld [smem:$0x3F9B]  }
0x1a: {  	s8 =	sadd.s32 $0xFFFFE003, lr  }
0x1b: {  	s9 =	sadd.s32 $0xFFFFFEF7, lr;
	s5 =	simm.s32 $0xFFFFFFFF;
	p2 =	slt.u32 s8, $0xFFFFF086  }
0x1c: {  	p1 =	slt.u32 s9, $0xF7A;
	s5 =	simm.s32 @!p2 $0x0  }
0x1d: {  	s5 =	simm.s32 @p1 $0x1;
	p0 =	seq.s32 s7, s2  }
0x1e: {  	s7 =	smul.u32 @!p0 $0xF7A, s2;
	p2 =	seq.s32 @!p0 s5, $0x0  }
0x1f: {  	s9 =	smul.u32 $0xF7A, s1;
	s8 =	simm.s32 @!p0 $0x1BF5;
	p2 =	por !p2, p0  }
0x20: {  	[sflag:s8] =	ssyncset.s32 @!p0 $0xFFFFF086;
	s6 =	sadd.s32 @!p0 s3, s7;
	s7 =	simm.s32 @!p0 $0x108  }
0x21: {  	s3 =	sadd.s32 s3, s9;
	s6 =	sadd.s32 @!p0 $0x88, s6;
	s7 =	simm.s32 @p2 $0x1082  }
0x22: {  	[simem:s7], [sflag:s8] =	dma.local @!p0 [hbm:s6], $0xF7A  }
0x23: {  	s9 =	sor.u32 $0xD0000000, s2;
	s6 =	simm.s32 $0x108;
	_ =	swait.ge @!p0 [sflag:s8], $0x0  }
0x24: {  	s3 =	sadd.s32 $0x88, s3;
	s6 =	simm.s32 @!p1 $0x1082;
	[sflag:s4] =	ssyncset.s32 $0xFFFFF086  }
0x25: {  	[simem:s6], [sflag:s4] =	dma.local [hbm:s3], $0xF7A  }
0x26: {  	[smem:$0x3F9B] =	sst s1;
	(tag) =	ssettag s2;
	_ =	strace s9  }
0x27: {  	s1 =	sld [smem:$0x3FAB]  }
0x28: {  	s2 =	sld [smem:$0x3FAC]  }
0x29: {  	s4 =	sld [smem:$0x3FAE]  }
0x2a: {  	p0 =	seq.s32 s5, $0x0;
	s5 =	sld [smem:$0x3FAF]  }
0x2b: {  	s6 =	sld [smem:$0x3FB0]  }
0x2c: {  	s7 =	sld [smem:$0x3FB1]  }
0x2d: {  	s3 =	simm.s32 $0x108;
	s8 =	sld [smem:$0x3FB2]  }
0x2e: {  	s3 =	simm.s32 @!p0 $0x1082;
	s9 =	sld [smem:$0x3FB3]  }
0x2f: {  	lr =	sadd.s32 s0, s3;
	s0 =	sld [smem:$0x3FAA]  }
0x30: {  	s3 =	sld [smem:$0x3FAD]  }
0x31: {  	[smem:$0x3FB6] =	sst s10  }
0x32: {  	s10 =	sld [smem:$0x3FB4];
	_ =	sdelay $0x3  }
0x33: {  	p0 =	seq.s32 s10, $0x1;
	s10 =	sld [smem:$0x3FB6];
	_ =	sdelay $0x3  }
0x34: {  	[smem:$0x3FB6] =	sst s10  }
0x35: {  	s10 =	sld [smem:$0x3FB5];
	_ =	sdelay $0x3  }
0x36: {  	p1 =	seq.s32 s10, $0x1;
	s10 =	sld [smem:$0x3FB6];
	_ =	sdelay $0x3  }
0x37: {  	[smem:$0x3FB6] =	sst s10  }
0x38: {  	s10 =	sld [smem:$0x3FB7]  }
0x39: {  	_ = 	snop;
	(pc) =	sbr.ind lr, $3  }
0x3a: {  	_ = 	snop  }
0x3b: {  	_ = 	snop  }
0x3c: {  	p2 =	seq.s32 s10, $0x1;
	s10 =	sld [smem:$0x3FB6]  }
0x3d: {  	_ =	shalt  }
0x3e: {  	_ =	shalt  }
0x3f: {  	_ =	shalt  }
0x40: {  	_ =	shalt  }
0x41: {  	_ =	shalt  }
0x42: {  	_ =	shalt  }
0x43: {  	_ =	shalt  }
0x44: {  	_ =	shalt  }
0x45: {  	_ =	shalt  }
0x46: {  	_ =	shalt  }
0x47: {  	_ =	shalt  }
0x48: {  	_ =	shalt  }
0x49: {  	_ =	shalt  }
0x4a: {  	_ =	shalt  }
0x4b: {  	_ =	shalt  }
0x4c: {  	_ =	shalt  }
0x4d: {  	_ =	shalt  }
0x4e: {  	_ =	shalt  }
0x4f: {  	_ =	shalt  }
0x50: {  	_ =	shalt  }
0x51: {  	_ =	shalt  }
0x52: {  	_ =	shalt  }
0x53: {  	_ =	shalt  }
0x54: {  	_ =	shalt  }
0x55: {  	_ =	shalt  }
0x56: {  	_ =	shalt  }
0x57: {  	_ =	shalt  }
0x58: {  	_ =	shalt  }
0x59: {  	_ =	shalt  }
0x5a: {  	_ =	shalt  }
0x5b: {  	_ =	shalt  }
0x5c: {  	_ =	shalt  }
0x5d: {  	_ =	shalt  }
0x5e: {  	_ =	shalt  }
0x5f: {  	_ =	shalt  }
0x60: {  	_ =	shalt  }
0x61: {  	_ =	shalt  }
0x62: {  	_ =	shalt  }
0x63: {  	_ =	shalt  }
0x64: {  	_ =	shalt  }
0x65: {  	_ =	shalt  }
0x66: {  	_ =	shalt  }
0x67: {  	_ =	shalt  }
0x68: {  	_ =	shalt  }
0x69: {  	_ =	shalt  }
0x6a: {  	_ =	shalt  }
0x6b: {  	_ =	shalt  }
0x6c: {  	_ =	shalt  }
0x6d: {  	_ =	shalt  }
0x6e: {  	_ =	shalt  }
0x6f: {  	_ =	shalt  }
0x70: {  	_ =	shalt  }
0x71: {  	_ =	shalt  }
0x72: {  	_ =	shalt  }
0x73: {  	_ =	shalt  }
0x74: {  	_ =	shalt  }
0x75: {  	_ =	shalt  }
0x76: {  	_ =	shalt  }
0x77: {  	_ =	shalt  }
0x78: {  	_ =	shalt  }
0x79: {  	_ =	shalt  }
0x7a: {  	_ =	shalt  }
0x7b: {  	_ =	shalt  }
0x7c: {  	_ =	shalt  }
0x7d: {  	_ =	shalt  }
0x7e: {  	_ =	shalt  }
0x7f: {  	_ =	shalt  }
0x80: {  	_ =	shalt  }
0x81: {  	_ =	shalt  }
0x82: {  	_ =	shalt  }
0x83: {  	_ =	shalt  }
0x84: {  	_ =	shalt  }
0x85: {  	_ =	shalt  }
0x86: {  	_ =	shalt  }
0x87: {  	_ =	shalt  }
.Lfunc_end0:
.L_simem_size_0:
called_computation_lowered:
.L_overlay_start_0:
0x88: {  	s2 =	sld [smem:$0x3FD9]  }
0x89: {  	s3 =	sld [smem:$0x3FFE];
	_ =	sdelay $0x1  }
0x8a: {  	s1 =	srdreg.scid  }
0x8b: {  	s0 =	sand.u32 $0x1, s1  }
0x8c: {  	s17 =	sshll.u32 s0, $0xA;
	s2 =	sadd.s32 s3, s2  }
0x8d: {  	s2 =	sadd.s32 s2, s17  }
0x8e: {  	[smem:$0x3FC2] =	sst s2  }
0x8f: {  	_ = 	snop  }
0x90: {  	s2 =	sld [smem:$0x3FD0];
	(tm) =	ssettm $0x1  }
0x91: {  	s18 =	sld [smem:$0x3FFB];
	_ =	sdelay $0x3  }
0x92: {  	_ =	strace s18  }
0x93: {  	s3 =	sld [smem:$0x3FFC];
	_ =	sdelay $0x3  }
0x94: {  	_ =	strace s3  }
0x95: {  	s3 =	sld [smem:$0x3FFD];
	_ =	sdelay $0x3  }
0x96: {  	_ =	strace s3  }
0x97: {  	_ =	strace $0x8FFFFFFF  }
0x98: {  	s19 =	sld [smem:$0x3FDB];
	_ =	sdelay $0x1  }
0x99: {  	s4 =	simm.s32 $_scs_section_size  }
0x9a: {  	s5 =	simm.s32 $_size__tile_overlayer_lowered;
	s6 =	simm.s32 $_tile_overlayer_lowered  }
0x9b: {  	s22 =	simm.s32 $0x1BFF;
	s21 =	sshll.u32 s6, $0x1;
	s3 =	sadd.s32 s4, s19  }
0x9c: {  	s7 =	simm.s32 $0x0;
	s20 =	sshll.u32 s5, $0x1;
	s5 =	sadd.s32 s21, s3  }
0x9d: {  	[timem:s7], [sflag:s22] =	dma.local [hbm:s5], s20  }
0x9e: {  	_ =	swait.ge [sflag:s22], s20  }
0x9f: {  	s4 =	ssub.s32 $0x0, s20;
	[sflag:s22] =	ssyncset.done $0x0  }
0xa0: {  	[sflag:s22] =	ssyncadd.s32 s4;
	_ =	sdelay $0x1  }
0xa1: {  	s23 =	simm.s32 $0x1B8B  }
0xa2: {  	_ =	swait.ge [sflag:s23], $0x1  }
0xa3: {  	[sflag:s23] =	ssyncset.done $0x0  }
0xa4: {  	s25 =	simm.s32 $0x1B8E;
	s24 =	sld [smem:$0x3FFE];
	[sflag:s23] =	ssyncadd.s32 $0xFFFFFFFF  }
0xa5: {  	s26 =	simm.s32 $execute0_lowered;
	[smem:$0x3FD2] =	sst s25  }
0xa6: {  	s5 =	sshll.u32 s26, $0x1;
	_ =	strace $0x80000046;
	[dreg:$0x1] =	wrdreg $0xFFFFFFFF  }
0xa7: {  	s28 =	simm.s32 $_size_execute0_lowered;
	s3 =	sadd.s32 s3, s5;
	[dreg:$0x0] =	wrdreg $0x0  }
0xa8: {  	s5 =	sshll.u32 s28, $0x1;
	[dreg:$0x2] =	wrdreg s3  }
0xa9: {  	[dreg:$0x3] =	wrdreg s5  }
0xaa: {  	[dreg:$0x4] =	wrdreg $0xC0  }
0xab: {  	_ =	task [dreg:s7], $0x5FFFF  }
0xac: {  	[dreg:$0x1] =	wrdreg $0xFFFFFFFF  }
0xad: {  	[dreg:$0x0] =	wrdreg $0x60  }
0xae: {  	[dreg:$0x2] =	wrdreg s2  }
0xaf: {  	[dreg:$0x3] =	wrdreg s24  }
0xb0: {  	[dreg:$0x4] =	wrdreg $0x9  }
0xb1: {  	_ =	task.clear_ibuf [dreg:s7], $0x5FFFF;
	_ =	strace $0x90000046  }
0xb2: {  	s29 =	simm.s32 $0x9;
	_ =	strace $0x8000004E  }
0xb3: {  	_ =	swait.ge [sflag:s29], $0x1  }
0xb4: {  	[sflag:s29] =	ssyncadd.s32 $0xFFFFFFFF  }
0xb5: {  	_ =	strace $0x9000004E  }
0xb6: {  	_ =	sfence  }
0xb7: {  	s30 =	sld [smem:$0x0];
	_ =	sdelay $0x2  }
0xb8: {  	s31 =	sshll.u32 s1, $0xD;
	s1 =	sshrl.u32 s1, $0x2  }
0xb9: {  	s3 =	sand.u32 $0x4000, s31;
	s1 =	sadd.s32 s1, s30  }
0xba: {  	s0 =	sor.u32 s3, s0;
	s1 =	sshll.u32 s1, $0x11  }
0xbb: {  	s0 =	sor.u32 s1, s0  }
0xbc: {  	s0 =	sadd.s32 $0x8F2B, s0  }
0xbd: {  	[sflag:s0] =	ssyncadd.remote.s32 $0x1  }
0xbe: {  	_ =	sfence.sel $0xFFFF  }
0xbf: {  	[dreg:$0x0] =	wrdreg $0xFFFFFFFF;
	(pc) =	sbr.abs _section_cstart, $3  }
0xc0: {  	[dreg:$0x1] =	wrdreg $0xFFFFFFFF  }
0xc1: {  	_ =	task.clear_ibuf [dreg:s7], $0x2FFFF;
	_ =	strace $0x9FFFFFFF  }
0xc2: {  	(tm) =	ssettm $0x7FFFFFFF  }
0xc3: {  	_ =	shalt  }
tec
execute0_lowered:
.L_overlay_start_1:
0x0: {  	(tag) =	ssettag $0x1  }
0x1: {  	s1 =	rddreg [dreg:$0x0]  }
0x2: {  	s9 =	rddreg [dreg:$0x1]  }
0x3: {  	s0 =	rddreg [dreg:$0x2]  }
0x4: {  	s3 =	simm.s32 $0x0;
	s4 =	srdreg.scid;
	s2 =	stileid.u32  }
0x5: {  	s13 =	simm.s32 $0x0;
	[smem:$0x7FF] =	sst s3;
	s5 =	sand.u32 $0x1, s4  }
0x6: {  	s29 =	sshll.u32 s2, $0x5;
	s4 =	sadd.s32 $0x1E00, s9;
	_ =	strace $0x80000047  }
0x7: {  	s6 =	sshll.u32 s5, $0x8;
	s7 =	sand.u32 $0xE0, s29;
	s8 =	ssub.s32 $0x2, s5  }
0x8: {  	s10 =	sshll.u32 s5, $0x4;
	s5 =	sadd.s32 $0x2200, s9;
	s9 =	sadd.s32 $0x2300, s9  }
0x9: {  	s6 =	sor.u32 s7, s6;
	s30 =	sshrl.u32 s8, $0x1;
	s31 =	sor.u32 s2, s10  }
0xa: {  	v2 =	vlaneseq.u32;
	s11 =	smul.u32 $0x180, s6;
	s12 =	ssub.s32 s8, s30;
	s8 =	sshll.u32 s31, $0x5  }
0xb: {  	vm0 =	vmmov $0xffff;
	vm1 =	vmmov $0xff;
	v1 =	vshrl.u32 v2, $0x3;
	s6 =	sshll.u32 s31, $0x1;
	s8 =	sadd.s32 s4, s8;
	s10 =	smax.u32 s12, $0x1  }
0xc: {  	v0 =	vand.u32 $0x7, v2;
	v2 =	vor.u32 $0x8, v2;
	v1 =	vmul.u32 $0x8, v1;
	s12 =	simm.s32 $0x5;
	s7 =	sadd.s32 s1, s11;
	s11 =	simm.s32 $0x18000  }
.LBB2_1:
0xd: {  	_ =	strace $0x80000048;
	p0 =	por $0x0, $0x0;
	p2 =	por $0x1, $0x1  }
0xe: {  	[tilespmem:s3], [sflag:$0x1] =	stream.linear.gather [hbm4b:s7+s3], $0xC000, $0x200038;
	[tilespmem:$0x18100] =	vst v63  }
0xf: {  	s14 =	simm.s32 $0x0;
	s15 =	simm.s32 $0x0;
	s16 =	simm.s32 $0x1  }
0x10: {  	[tilespmem:s11], [sflag:$0x3] =	stream.linear.gather [hbm4b:s8+s3], $0x80, $0x200038;
	[tilespmem:$0x18100] =	vst v63  }
0x11: {  	s17 =	simm.s32 $0x0;
	s18 =	simm.s32 $0x1;
	_ =	strace $0x90000048  }
.LBB2_2:
0x12: {  	s20 =	smov.u32 s14;
	s14 =	sadd.s32 $0x1, s14  }
0x13: {  	s25 =	simm.s32 $0x1;
	s21 =	sadd.s32 s6, s20;
	p1 =	seq.s32 s14, $0x2  }
0x14: {  	s14 =	simm.s32 @p1 $0x0;
	s19 =	sshra.s32 s21, $0x1F;
	s22 =	sand.u32 $0x1F, s21  }
0x15: {  	p4 =	slt.s32 s21, $0x1;
	s23 =	sshrl.u32 s19, $0x1B;
	p3 =	sne.s32 s22, $0x0  }
0x16: {  	s19 =	sadd.s32 s6, s14;
	s30 =	sadd.s32 s23, s21;
	p1 =	por !p4, !p3  }
0x17: {  	s31 =	sand.u32 $0x1F, s19;
	s24 =	sshra.s32 s19, $0x1F;
	p5 =	slt.s32 s19, $0x1  }
0x18: {  	s23 =	simm.s32 $0x1;
	s21 =	sand.u32 $0xF, s21;
	s26 =	sand.u32 $0xF, s19  }
0x19: {  	s22 =	sshra.s32 s30, $0x5;
	p4 =	sne.s32 s31, $0x0;
	s24 =	sshrl.u32 s24, $0x1B  }
0x1a: {  	p1 =	por !p1, !p1;
	p3 =	por !p5, !p4;
	s24 =	sadd.s32 s24, s19  }
0x1b: {  	s23 =	simm.s32 @!p1 $0x0;
	p1 =	por p2, p2;
	p3 =	por !p3, !p3  }
0x1c: {  	p4 =	seq.s32 s20, $0x0;
	s24 =	sshra.s32 s24, $0x5;
	s25 =	simm.s32 @!p3 $0x0  }
0x1d: {  	s22 =	ssub.s32 s22, s23;
	s25 =	ssub.s32 s24, s25;
	s24 =	sadd.s32 $0xFFFFFFFF, s20  }
0x1e: {  	s22 =	sshll.u32 s22, $0x4;
	s23 =	sshll.u32 s25, $0x4;
	s24 =	simm.s32 @p4 $0x1  }
0x1f: {  	s21 =	sor.u32 s21, s22;
	s22 =	sor.u32 s26, s23;
	s24 =	sadd.s32 s6, s24  }
0x20: {  	p4 =	sne.s32 s20, s14;
	p2 =	sne.s32 s21, s22;
	s28 =	sand.u32 $0x1F, s24  }
0x21: {  	s29 =	sshra.s32 s24, $0x1F;
	p5 =	slt.s32 s24, $0x1;
	s31 =	sand.u32 $0xF, s24  }
0x22: {  	s23 =	simm.s32 @!p2 $0x0;
	p6 =	por !p1, !p2;
	s30 =	sshrl.u32 s29, $0x1B  }
0x23: {  	s23 =	simm.s32 @p2 $0x1;
	p3 =	por !p6, !p6;
	p6 =	sne.s32 s28, $0x0  }
0x24: {  	[smem:$0x7FD] =	sst s23;
	s23 =	sand.u32 @p3 $0x1, s18;
	s22 =	smul.u32 @p3 $0x1800, s22  }
0x25: {  	s20 =	sadd.s32 s30, s24;
	p2 =	por !p1, !p4;
	s25 =	smul.u32 @p3 $0x30000, s23  }
0x26: {  	s26 =	simm.s32 @p3 $0x0;
	p5 =	por !p5, !p6;
	_ =	strace @p3 $0x80000049  }
0x27: {  	s23 =	sadd.s32 @p3 $0x1, s23;
	s22 =	sadd.s32 @p3 s1, s22;
	s25 =	sshrl.u32 @p3 s25, $0x2  }
0x28: {  	[tilespmem:s25], [sflag:s23] =	stream.linear.gather @p3 [hbm4b:s22+s26], $0xC000, $0x200038;
	[tilespmem:$0x18100] =	vst v63  }
0x29: {  	s20 =	sshra.s32 s20, $0x5;
	p5 =	por !p5, !p5;
	s22 =	simm.s32 $0x1  }
0x2a: {  	s22 =	simm.s32 @!p5 $0x0;
	_ =	strace @p3 $0x90000049;
	p5 =	por !p2, !p2  }
0x2b: {  	p2 =	por !p1, !p1;
	s20 =	ssub.s32 s20, s22;
	s22 =	sand.u32 @p5 $0x1, s16  }
0x2c: {  	_ =	strace @p5 $0x8000004A;
	s19 =	sshll.u32 @p5 s19, $0x4;
	s20 =	sshll.u32 s20, $0x4  }
0x2d: {  	s24 =	sshll.u32 @p5 s22, $0x7;
	s19 =	sand.u32 @p5 $0x1FFFFFF0, s19;
	s20 =	sor.u32 s31, s20  }
0x2e: {  	s19 =	sadd.s32 @p5 s4, s19;
	p6 =	seq.s32 s21, s20;
	s20 =	sor.u32 @p5 $0x18000, s24  }
0x2f: {  	s21 =	sadd.s32 @p5 $0x3, s22;
	s22 =	simm.s32 @p5 $0x0;
	p2 =	por !p2, !p6  }
0x30: {  	[tilespmem:s20], [sflag:s21] =	stream.linear.gather @p5 [hbm4b:s19+s22], $0x80, $0x200038;
	[tilespmem:$0x18100] =	vst v63  }
0x31: {  	p2 =	por !p2, !p2  }
0x32: {  	_ =	strace @p5 $0x9000004A;
	s19 =	sand.u32 @!p2 $0x1, s17  }
0x33: {  	_ =	strace @!p2 $0x8000004B;
	s19 =	sadd.s32 @!p2 $0x1, s19  }
0x34: {  	_ =	swait.ge @!p2 [sflag:s19], $0xC000  }
0x35: {  	[sflag:s19] =	ssyncset.done @!p2 $0x0  }
0x36: {  	[sflag:s19] =	ssyncadd.s32 @!p2 $0xFFFF4000  }
0x37: {  	s24 =	sand.u32 $0x1, s15;
	_ =	strace @!p2 $0x9000004B  }
0x38: {  	s19 =	sadd.s32 $0x3, s24;
	_ =	strace $0x8000004C  }
0x39: {  	_ =	swait.ge [sflag:s19], $0x80  }
0x3a: {  	[sflag:s19] =	ssyncset.done $0x0  }
0x3b: {  	[sflag:s19] =	ssyncadd.s32 $0xFFFFFF80  }
0x3c: {  	s25 =	sshll.u32 s15, $0x7;
	_ =	strace $0x9000004C  }
0x3d: {  	s20 =	sand.u32 $0x80, s25;
	_ =	strace $0x8000004D  }
0x3e: {  	v3 =	vld [tilespmem:s20+$0x18000];
	_ =	sdelay $0x4  }
0x3f: {  	v4 =	vshrl.u32 v3, $0x3  }
0x40: {  	v4 =	vmul.u32 $0x18, v4  }
0x41: {  	v3 =	vand.u32 $0x7, v3  }
0x42: {  	v3 =	vor.u32 v3, v4  }
0x43: {  	v4 =	vperm.xlane v3, v0;
	_ =	sdelay $0x1  }
0x44: {  	v4 =	vadd.s32 v1, v4;
	_ =	sdelay $0x1  }
0x45: {  	s26 =	sand.u32 $0x1, s17;
	v3 =	vperm.xlane v3, v2  }
0x46: {  	p2 =	seq.s32 s26, $0x1;
	s19 =	simm.s32 $0xC000  }
0x47: {  	s19 =	simm.s32 @!p2 $0x0;
	v3 =	vadd.s32 v1, v3  }
0x48: {  	[hbm4b:s5+s3] =	stream.indirect_vreg.scatter [tilespmem:s19], [sflag:$0x5], $0x80, v4, vm0, $0x2000b8;
	[tilespmem:$0x18100] =	vst v63  }
0x49: {  	s28 =	sor.u32 $0x800, s19  }
0x4a: {  	[hbm4b:s9+s3] =	stream.indirect_vreg.scatter [tilespmem:s28], [sflag:$0x5], $0x80, v4, vm1, $0x2000b8;
	[tilespmem:$0x18100] =	vst v63  }
0x4b: {  	s29 =	sor.u32 $0xC00, s19  }
0x4c: {  	[hbm4b:s5+s3] =	stream.indirect_vreg.scatter [tilespmem:s29], [sflag:$0x5], $0x80, v3, vm0, $0x2000b8;
	[tilespmem:$0x18100] =	vst v63  }
0x4d: {  	s30 =	sor.u32 $0x1400, s19  }
0x4e: {  	[hbm4b:s9+s3] =	stream.indirect_vreg.scatter [tilespmem:s30], [sflag:$0x5], $0x80, v3, vm1, $0x2000b8;
	[tilespmem:$0x18100] =	vst v63  }
0x4f: {  	v3 =	vld [tilespmem:s20+$0x18010];
	_ =	sdelay $0x4  }
0x50: {  	v57 =	vshrl.u32 v3, $0x3  }
0x51: {  	v4 =	vmul.u32 $0x18, v57  }
0x52: {  	v3 =	vand.u32 $0x7, v3  }
0x53: {  	v3 =	vor.u32 v3, v4  }
0x54: {  	v4 =	vperm.xlane v3, v0;
	_ =	sdelay $0x1  }
0x55: {  	v4 =	vadd.s32 v1, v4;
	_ =	sdelay $0x1  }
0x56: {  	v3 =	vperm.xlane v3, v2;
	_ =	sdelay $0x1  }
0x57: {  	s31 =	sor.u32 $0x1800, s19;
	v3 =	vadd.s32 v1, v3  }
0x58: {  	[hbm4b:s5+s3] =	stream.indirect_vreg.scatter [tilespmem:s31], [sflag:$0x5], $0x80, v4, vm0, $0x2000b8;
	[tilespmem:$0x18100] =	vst v63  }
0x59: {  	s22 =	sor.u32 $0x2000, s19  }
0x5a: {  	[hbm4b:s9+s3] =	stream.indirect_vreg.scatter [tilespmem:s22], [sflag:$0x5], $0x80, v4, vm1, $0x2000b8;
	[tilespmem:$0x18100] =	vst v63  }
0x5b: {  	s23 =	sor.u32 $0x2400, s19  }
0x5c: {  	[hbm4b:s5+s3] =	stream.indirect_vreg.scatter [tilespmem:s23], [sflag:$0x5], $0x80, v3, vm0, $0x2000b8;
	[tilespmem:$0x18100] =	vst v63  }
0x5d: {  	s24 =	sor.u32 $0x2C00, s19  }
0x5e: {  	[hbm4b:s9+s3] =	stream.indirect_vreg.scatter [tilespmem:s24], [sflag:$0x5], $0x80, v3, vm1, $0x2000b8;
	[tilespmem:$0x18100] =	vst v63  }
0x5f: {  	v3 =	vld [tilespmem:s20+$0x18020];
	_ =	sdelay $0x4  }
0x60: {  	v58 =	vshrl.u32 v3, $0x3  }
0x61: {  	v4 =	vmul.u32 $0x18, v58  }
0x62: {  	v3 =	vand.u32 $0x7, v3  }
0x63: {  	v3 =	vor.u32 v3, v4  }
0x64: {  	v4 =	vperm.xlane v3, v0;
	_ =	sdelay $0x1  }
0x65: {  	v4 =	vadd.s32 v1, v4;
	_ =	sdelay $0x1  }
0x66: {  	v3 =	vperm.xlane v3, v2;
	_ =	sdelay $0x1  }
0x67: {  	s25 =	sor.u32 $0x3000, s19;
	v3 =	vadd.s32 v1, v3  }
0x68: {  	[hbm4b:s5+s3] =	stream.indirect_vreg.scatter [tilespmem:s25], [sflag:$0x5], $0x80, v4, vm0, $0x2000b8;
	[tilespmem:$0x18100] =	vst v63  }
0x69: {  	s26 =	sor.u32 $0x3800, s19  }
0x6a: {  	[hbm4b:s9+s3] =	stream.indirect_vreg.scatter [tilespmem:s26], [sflag:$0x5], $0x80, v4, vm1, $0x2000b8;
	[tilespmem:$0x18100] =	vst v63  }
0x6b: {  	s28 =	sor.u32 $0x3C00, s19  }
0x6c: {  	[hbm4b:s5+s3] =	stream.indirect_vreg.scatter [tilespmem:s28], [sflag:$0x5], $0x80, v3, vm0, $0x2000b8;
	[tilespmem:$0x18100] =	vst v63  }
0x6d: {  	s29 =	sadd.s32 $0x4400, s19  }
0x6e: {  	[hbm4b:s9+s3] =	stream.indirect_vreg.scatter [tilespmem:s29], [sflag:$0x5], $0x80, v3, vm1, $0x2000b8;
	[tilespmem:$0x18100] =	vst v63  }
0x6f: {  	v3 =	vld [tilespmem:s20+$0x18030];
	_ =	sdelay $0x4  }
0x70: {  	v59 =	vshrl.u32 v3, $0x3  }
0x71: {  	v4 =	vmul.u32 $0x18, v59  }
0x72: {  	v3 =	vand.u32 $0x7, v3  }
0x73: {  	v3 =	vor.u32 v3, v4  }
0x74: {  	v4 =	vperm.xlane v3, v0;
	_ =	sdelay $0x1  }
0x75: {  	v4 =	vadd.s32 v1, v4;
	_ =	sdelay $0x1  }
0x76: {  	v3 =	vperm.xlane v3, v2;
	_ =	sdelay $0x1  }
0x77: {  	s30 =	sadd.s32 $0x4800, s19;
	v3 =	vadd.s32 v1, v3  }
0x78: {  	[hbm4b:s5+s3] =	stream.indirect_vreg.scatter [tilespmem:s30], [sflag:$0x5], $0x80, v4, vm0, $0x2000b8;
	[tilespmem:$0x18100] =	vst v63  }
0x79: {  	s31 =	sadd.s32 $0x5000, s19  }
0x7a: {  	[hbm4b:s9+s3] =	stream.indirect_vreg.scatter [tilespmem:s31], [sflag:$0x5], $0x80, v4, vm1, $0x2000b8;
	[tilespmem:$0x18100] =	vst v63  }
0x7b: {  	s22 =	sadd.s32 $0x5400, s19  }
0x7c: {  	[hbm4b:s5+s3] =	stream.indirect_vreg.scatter [tilespmem:s22], [sflag:$0x5], $0x80, v3, vm0, $0x2000b8;
	[tilespmem:$0x18100] =	vst v63  }
0x7d: {  	s23 =	sadd.s32 $0x5C00, s19  }
0x7e: {  	[hbm4b:s9+s3] =	stream.indirect_vreg.scatter [tilespmem:s23], [sflag:$0x5], $0x80, v3, vm1, $0x2000b8;
	[tilespmem:$0x18100] =	vst v63  }
0x7f: {  	v3 =	vld [tilespmem:s20+$0x18040];
	_ =	sdelay $0x4  }
0x80: {  	v60 =	vshrl.u32 v3, $0x3  }
0x81: {  	v4 =	vmul.u32 $0x18, v60  }
0x82: {  	v3 =	vand.u32 $0x7, v3  }
0x83: {  	v3 =	vor.u32 v3, v4  }
0x84: {  	v4 =	vperm.xlane v3, v0;
	_ =	sdelay $0x1  }
0x85: {  	v4 =	vadd.s32 v1, v4;
	_ =	sdelay $0x1  }
0x86: {  	v3 =	vperm.xlane v3, v2;
	_ =	sdelay $0x1  }
0x87: {  	s24 =	sadd.s32 $0x6000, s19;
	v3 =	vadd.s32 v1, v3  }
0x88: {  	[hbm4b:s5+s3] =	stream.indirect_vreg.scatter [tilespmem:s24], [sflag:$0x5], $0x80, v4, vm0, $0x2000b8;
	[tilespmem:$0x18100] =	vst v63  }
0x89: {  	s25 =	sadd.s32 $0x6800, s19  }
0x8a: {  	[hbm4b:s9+s3] =	stream.indirect_vreg.scatter [tilespmem:s25], [sflag:$0x5], $0x80, v4, vm1, $0x2000b8;
	[tilespmem:$0x18100] =	vst v63  }
0x8b: {  	s26 =	sadd.s32 $0x6C00, s19  }
0x8c: {  	[hbm4b:s5+s3] =	stream.indirect_vreg.scatter [tilespmem:s26], [sflag:$0x5], $0x80, v3, vm0, $0x2000b8;
	[tilespmem:$0x18100] =	vst v63  }
0x8d: {  	s28 =	sadd.s32 $0x7400, s19  }
0x8e: {  	[hbm4b:s9+s3] =	stream.indirect_vreg.scatter [tilespmem:s28], [sflag:$0x5], $0x80, v3, vm1, $0x2000b8;
	[tilespmem:$0x18100] =	vst v63  }
0x8f: {  	v3 =	vld [tilespmem:s20+$0x18050];
	_ =	sdelay $0x4  }
0x90: {  	v61 =	vshrl.u32 v3, $0x3  }
0x91: {  	v4 =	vmul.u32 $0x18, v61  }
0x92: {  	v3 =	vand.u32 $0x7, v3  }
0x93: {  	v3 =	vor.u32 v3, v4  }
0x94: {  	v4 =	vperm.xlane v3, v0;
	_ =	sdelay $0x1  }
0x95: {  	v4 =	vadd.s32 v1, v4;
	_ =	sdelay $0x1  }
0x96: {  	v3 =	vperm.xlane v3, v2;
	_ =	sdelay $0x1  }
0x97: {  	s29 =	sadd.s32 $0x7800, s19;
	v3 =	vadd.s32 v1, v3  }
0x98: {  	[hbm4b:s5+s3] =	stream.indirect_vreg.scatter [tilespmem:s29], [sflag:$0x5], $0x80, v4, vm0, $0x2000b8;
	[tilespmem:$0x18100] =	vst v63  }
0x99: {  	s30 =	sadd.s32 $0x8000, s19  }
0x9a: {  	[hbm4b:s9+s3] =	stream.indirect_vreg.scatter [tilespmem:s30], [sflag:$0x5], $0x80, v4, vm1, $0x2000b8;
	[tilespmem:$0x18100] =	vst v63  }
0x9b: {  	s31 =	sadd.s32 $0x8400, s19  }
0x9c: {  	[hbm4b:s5+s3] =	stream.indirect_vreg.scatter [tilespmem:s31], [sflag:$0x5], $0x80, v3, vm0, $0x2000b8;
	[tilespmem:$0x18100] =	vst v63  }
0x9d: {  	s22 =	sadd.s32 $0x8C00, s19  }
0x9e: {  	[hbm4b:s9+s3] =	stream.indirect_vreg.scatter [tilespmem:s22], [sflag:$0x5], $0x80, v3, vm1, $0x2000b8;
	[tilespmem:$0x18100] =	vst v63  }
0x9f: {  	v3 =	vld [tilespmem:s20+$0x18060];
	_ =	sdelay $0x4  }
0xa0: {  	v62 =	vshrl.u32 v3, $0x3  }
0xa1: {  	v4 =	vmul.u32 $0x18, v62  }
0xa2: {  	v3 =	vand.u32 $0x7, v3  }
0xa3: {  	v3 =	vor.u32 v3, v4  }
0xa4: {  	v4 =	vperm.xlane v3, v0;
	_ =	sdelay $0x1  }
0xa5: {  	v4 =	vadd.s32 v1, v4;
	_ =	sdelay $0x1  }
0xa6: {  	v3 =	vperm.xlane v3, v2;
	_ =	sdelay $0x1  }
0xa7: {  	s23 =	sadd.s32 $0x9000, s19;
	v3 =	vadd.s32 v1, v3  }
0xa8: {  	[hbm4b:s5+s3] =	stream.indirect_vreg.scatter [tilespmem:s23], [sflag:$0x5], $0x80, v4, vm0, $0x2000b8;
	[tilespmem:$0x18100] =	vst v63  }
0xa9: {  	s24 =	sadd.s32 $0x9800, s19  }
0xaa: {  	[hbm4b:s9+s3] =	stream.indirect_vreg.scatter [tilespmem:s24], [sflag:$0x5], $0x80, v4, vm1, $0x2000b8;
	[tilespmem:$0x18100] =	vst v63  }
0xab: {  	s25 =	sadd.s32 $0x9C00, s19  }
0xac: {  	[hbm4b:s5+s3] =	stream.indirect_vreg.scatter [tilespmem:s25], [sflag:$0x5], $0x80, v3, vm0, $0x2000b8;
	[tilespmem:$0x18100] =	vst v63  }
0xad: {  	s26 =	sadd.s32 $0xA400, s19  }
0xae: {  	[hbm4b:s9+s3] =	stream.indirect_vreg.scatter [tilespmem:s26], [sflag:$0x5], $0x80, v3, vm1, $0x2000b8;
	[tilespmem:$0x18100] =	vst v63  }
0xaf: {  	v3 =	vld [tilespmem:s20+$0x18070];
	_ =	sdelay $0x4  }
0xb0: {  	v63 =	vshrl.u32 v3, $0x3  }
0xb1: {  	v4 =	vmul.u32 $0x18, v63  }
0xb2: {  	v3 =	vand.u32 $0x7, v3  }
0xb3: {  	v3 =	vor.u32 v3, v4  }
0xb4: {  	v4 =	vperm.xlane v3, v0;
	_ =	sdelay $0x1  }
0xb5: {  	v4 =	vadd.s32 v1, v4;
	_ =	sdelay $0x1  }
0xb6: {  	v3 =	vperm.xlane v3, v2;
	_ =	sdelay $0x1  }
0xb7: {  	s28 =	sadd.s32 $0xA800, s19;
	v3 =	vadd.s32 v1, v3  }
0xb8: {  	[hbm4b:s5+s3] =	stream.indirect_vreg.scatter [tilespmem:s28], [sflag:$0x5], $0x80, v4, vm0, $0x2000b8;
	[tilespmem:$0x18100] =	vst v63  }
0xb9: {  	s29 =	sadd.s32 $0xB000, s19  }
0xba: {  	[hbm4b:s9+s3] =	stream.indirect_vreg.scatter [tilespmem:s29], [sflag:$0x5], $0x80, v4, vm1, $0x2000b8;
	[tilespmem:$0x18100] =	vst v63  }
0xbb: {  	s30 =	sadd.s32 $0xB400, s19  }
0xbc: {  	[hbm4b:s5+s3] =	stream.indirect_vreg.scatter [tilespmem:s30], [sflag:$0x5], $0x80, v3, vm0, $0x2000b8;
	[tilespmem:$0x18100] =	vst v63  }
0xbd: {  	s19 =	sadd.s32 $0xBC00, s19  }
0xbe: {  	[hbm4b:s9+s3] =	stream.indirect_vreg.scatter [tilespmem:s19], [sflag:$0x5], $0x80, v3, vm1, $0x2000b8;
	[tilespmem:$0x18100] =	vst v63  }
0xbf: {  	s21 =	simm.s32 $0x1;
	s20 =	simm.s32 $0x1;
	_ =	swait.ge [sflag:s12], $0xC000  }
0xc0: {  	s21 =	simm.s32 @!p5 $0x0;
	s20 =	simm.s32 @!p3 $0x0;
	s31 =	sld [smem:$0x7FD]  }
0xc1: {  	s16 =	sadd.s32 s21, s16;
	s18 =	sadd.s32 s20, s18  }
.Ltmp0:
0xc2: {  	s20 =	simm.s32 $0x1;
	[sflag:s12] =	ssyncset.done $0x0;
	(pc) =	sbr.rel @p1 .LBB2_2-.Ltmp0, $4  }
0xc3: {  	s19 =	simm.s32 $0x1;
	[sflag:s12] =	ssyncadd.s32 $0xFFFF4000;
	p6 =	seq.s32 s31, $0x1  }
0xc4: {  	_ =	strace $0x9000004D;
	p2 =	por p0, p6;
	p0 =	por p0, p4  }
0xc5: {  	s19 =	simm.s32 @!p2 $0x0;
	s20 =	simm.s32 @!p0 $0x0;
	p2 =	por $0x0, $0x0  }
0xc6: {  	p0 =	por $0x1, $0x1;
	s17 =	sadd.s32 s19, s17;
	s15 =	sadd.s32 s20, s15  }
0xc7: {  	s13 =	sadd.s32 $0x1, s13  }
0xc8: {  	p0 =	sne.s32 s13, s10  }
.Ltmp1:
0xc9: {  	_ = 	snop;
	(pc) =	sbr.rel @p0 .LBB2_1-.Ltmp1, $1  }
0xca: {  	_ =	sdelay $0x3  }
0xcb: {  	_ =	sfence.sel $0x180000  }
0xcc: {  	[bflag:$0x0] =	sbarrier.arrive $0xFFFF  }
0xcd: {  	p0 =	sne.s32 s2, $0x0;
	_ =	strace $0x90000047  }
0xce: {  	s0 =	sadd.s32 @!p0 $0x100000, s0;
	[bflag:$0x2] =	sbarrier.arrive $0xFFFF  }
0xcf: {  	[sflag:s0] =	ssyncadd.tile.s32 @!p0 $0x1;
	_ =	shalt  }
.Lfunc_end2:
_tile_overlayer_lowered:
.L_overlay_start_2:
0xd0: {  	(tag) =	ssettag $0x2  }
0xd1: {  	s0 =	rddreg [dreg:$0x0];
	s2 =	stileid.u32  }
0xd2: {  	s1 =	rddreg [dreg:$0x1];
	p0 =	sne.s32 s2, $0x0  }
0xd3: {  	s3 =	rddreg [dreg:$0x2];
	[bflag:$0x3] =	sbarrier.arrive $0xFFFF;
	s2 =	simm.s32 @!p0 $0x1C01  }
0xd4: {  	[timem:s3], [sflag:s2] =	dma.local @!p0 [hbm:s0], s1  }
0xd5: {  	s0 =	simm.s32 @!p0 $0x1  }
0xd6: {  	_ =	swait.ge @!p0 [sflag:s0], s1  }
0xd7: {  	s1 =	ssub.s32 @!p0 $0x0, s1;
	[sflag:s0] =	ssyncset.done @!p0 $0x0  }
0xd8: {  	[sflag:s0] =	ssyncadd.s32 @!p0 s1  }
0xd9: {  	[bflag:$0x3] =	sbarrier.arrive $0xFFFF  }
0xda: {  	_ =	shalt  }

</sc_bundles>
